<compile_context>
chip_gen: v7x
topology: tpu7x:2x2x1
jax: 0.10.2.dev20260603
libtpu: 0.0.44.dev20260713+nightly
codegen_flags: <defaults>
</compile_context>

<pallas_src>
import functools
import math

import jax
import jax.numpy as jnp
from jax import lax
from jax.experimental import pallas as pl
from jax.experimental.pallas import tpu as pltpu
from jax.experimental.pallas import tpu_sc as plsc

N, E, D, H = 10000, 160000, 256, 256
HH = H // 2
NTILES = 32
EPC = 128
EROWS = math.ceil(E / (NTILES * EPC)) * NTILES
EPAD = EROWS * EPC
CPT = EROWS // 16
NPAD = 10240
NSL = NPAD // NTILES
RPT = NPAD // 16

_mesh = plsc.VectorSubcoreMesh(core_axis_name="c", subcore_axis_name="s")
_sc_params = pltpu.CompilerParams(needs_layout_passes=False)


@functools.partial(
    pl.kernel, mesh=_mesh,
    out_type=[jax.ShapeDtypeStruct((NPAD,), jnp.float32),
              jax.ShapeDtypeStruct((2 * EROWS, EPC), jnp.float32)],
    compiler_params=_sc_params,
    scratch_types=[
        pltpu.VMEM((CPT, EPC), jnp.int32),
        pltpu.VMEM((CPT, EPC), jnp.int32),
        pltpu.VMEM((CPT, EPC), jnp.float32),
        pltpu.VMEM((CPT, EPC), jnp.float32),
        pltpu.VMEM((NPAD // 16,), jnp.float32),
        pltpu.VMEM((NPAD,), jnp.float32),
        pltpu.VMEM((NPAD,), jnp.float32),
        pltpu.VMEM_SHARED((NPAD,), jnp.float32),
    ],
)
def _deg_dinv(src_hbm, dst_hbm, ew_hbm, dinv_hbm, w_hbm,
              src_v, dst_v, ew_v, w_v, ones_v, deg_v, dinv_v, deg_sh):
    c = lax.axis_index("c")
    s = lax.axis_index("s")
    nsh = NPAD // 16

    def _ones(i, _):
        ones_v[pl.ds(i * 16, 16)] = jnp.ones((16,), jnp.float32)
        return 0
    lax.fori_loop(0, nsh // 16, _ones, 0, unroll=4)
    pltpu.sync_copy(ones_v, deg_sh.at[pl.ds(s * nsh, nsh)])
    plsc.subcore_barrier()

    pltpu.sync_copy(src_hbm.at[pl.ds(s * CPT, CPT)], src_v)
    pltpu.sync_copy(dst_hbm.at[pl.ds(s * CPT, CPT)], dst_v)
    pltpu.sync_copy(ew_hbm.at[pl.ds(s * CPT, CPT)], ew_v)

    def _scat(j, _):
        pltpu.sync_copy(ew_v.at[j], deg_sh.at[dst_v.at[j]], add=True)
        return 0
    lax.fori_loop(0, CPT, _scat, 0)
    plsc.subcore_barrier()

    pltpu.sync_copy(deg_sh, deg_v)

    def _rsqrt(i, _):
        sl = pl.ds(i * 16, 16)
        x = deg_v[sl]
        xi = lax.bitcast_convert_type(x, jnp.int32)
        y = lax.bitcast_convert_type(jnp.int32(0x5F3759DF) - (xi >> 1),
                                     jnp.float32)
        y = y * (1.5 - 0.5 * x * y * y)
        y = y * (1.5 - 0.5 * x * y * y)
        y = y * (1.5 - 0.5 * x * y * y)
        dinv_v[sl] = y
        return 0
    lax.fori_loop(0, NPAD // 16, _rsqrt, 0, unroll=2)

    off = (c * 16 + s) * NSL
    pltpu.sync_copy(dinv_v.at[pl.ds(off, NSL)], dinv_hbm.at[pl.ds(off, NSL)])

    def _wrow(j, _):
        for g in range(8):
            sl = pl.ds(g * 16, 16)
            w_v[j, sl] = ew_v[j, sl] * plsc.load_gather(dinv_v,
                                                        [src_v[j, sl]])
        return 0
    lax.fori_loop(0, CPT, _wrow, 0)
    pltpu.sync_copy(w_v, w_hbm.at[pl.ds(c * EROWS + s * CPT, CPT)])


@functools.partial(
    pl.kernel, mesh=_mesh,
    out_type=jax.ShapeDtypeStruct((2 * NPAD, HH), jnp.float32),
    compiler_params=_sc_params,
    scratch_types=[
        pltpu.VMEM((CPT, EPC), jnp.int32),
        pltpu.VMEM((CPT, EPC), jnp.int32),
        pltpu.VMEM((CPT, EPC), jnp.float32),
        pltpu.VMEM((EPC,), jnp.int32),
        pltpu.VMEM((EPC, HH), jnp.float32),
        pltpu.VMEM_SHARED((NPAD, HH), jnp.float32),
        pltpu.SemaphoreType.DMA,
    ],
)
def _message(src_hbm, dst_hbm, w_hbm, h_hbm, agg_hbm,
             src_v, dst_v, w_v, idx_v, rows_v, agg_sh, sem):
    c = lax.axis_index("c")
    s = lax.axis_index("s")

    def _z(r, _):
        for g in range(8):
            rows_v[r, pl.ds(g * 16, 16)] = jnp.zeros((16,), jnp.float32)
        return 0
    lax.fori_loop(0, EPC, _z, 0)
    for k in range(RPT // EPC):
        pltpu.sync_copy(rows_v, agg_sh.at[pl.ds(s * RPT + k * EPC, EPC)])
    plsc.subcore_barrier()

    pltpu.sync_copy(src_hbm.at[pl.ds(s * CPT, CPT)], src_v)
    pltpu.sync_copy(dst_hbm.at[pl.ds(s * CPT, CPT)], dst_v)
    pltpu.sync_copy(w_hbm.at[pl.ds(s * CPT, CPT)], w_v)
    cN = c * N

    def _chunk(j, _):
        for g in range(8):
            sl = pl.ds(g * 16, 16)
            idx_v[sl] = src_v[j, sl] + cN

        pltpu.async_copy(h_hbm.at[idx_v], rows_v, sem).wait()

        def _erow(e, _):
            we = plsc.load_gather(
                w_v, [lax.broadcast(j, (16,)), lax.broadcast(e, (16,))])
            for g in range(8):
                slg = pl.ds(g * 16, 16)
                rows_v[e, slg] = rows_v[e, slg] * we
            return 0
        lax.fori_loop(0, EPC, _erow, 0, unroll=2)

        pltpu.sync_copy(rows_v, agg_sh.at[dst_v.at[j]], add=True)
        return 0
    lax.fori_loop(0, CPT, _chunk, 0)
    plsc.subcore_barrier()

    for k in range(RPT // EPC):
        off = s * RPT + k * EPC
        pltpu.sync_copy(agg_sh.at[pl.ds(off, EPC)], rows_v)
        pltpu.sync_copy(rows_v, agg_hbm.at[pl.ds(c * NPAD + off, EPC)])


def _mm_body(x_ref, w1_ref, o_ref):
    o_ref[...] = jnp.dot(x_ref[...], w1_ref[...],
                         preferred_element_type=jnp.float32)


def _head_body(a0_ref, a1_ref, h0_ref, h1_ref, di_ref, b1_ref, w2_ref, b2_ref,
               o_ref):
    di = di_ref[...]
    z0 = jnp.maximum(di * (a0_ref[...] + di * h0_ref[...])
                     + b1_ref[0:1, :HH], 0.0)
    z1 = jnp.maximum(di * (a1_ref[...] + di * h1_ref[...])
                     + b1_ref[0:1, HH:], 0.0)
    acc = jnp.dot(z0, w2_ref[:HH, :], preferred_element_type=jnp.float32)
    acc += jnp.dot(z1, w2_ref[HH:, :], preferred_element_type=jnp.float32)
    o_ref[...] = acc + b2_ref[0:1, :]


def kernel(x, edge_index, edge_weight, W1, b1, W2, b2):
    src = edge_index[0]
    dst = edge_index[1]
    pad = EPAD - E
    fill = jnp.arange(pad, dtype=src.dtype)
    src_p = jnp.concatenate([src, fill]).reshape(EROWS, EPC)
    dst_p = jnp.concatenate([dst, fill]).reshape(EROWS, EPC)
    ew_p = jnp.concatenate(
        [edge_weight, jnp.zeros((pad,), edge_weight.dtype)]).reshape(EROWS, EPC)

    dinv_pad, w_full = _deg_dinv(src_p, dst_p, ew_p)
    w2d = w_full[:EROWS]

    blk = 1000
    nblk = N // blk
    h_stack = pl.pallas_call(
        _mm_body,
        grid=(nblk, 2),
        in_specs=[
            pl.BlockSpec((blk, D), lambda i, j: (i, 0)),
            pl.BlockSpec((D, HH), lambda i, j: (0, j)),
        ],
        out_specs=pl.BlockSpec((blk, HH), lambda i, j: (j * nblk + i, 0)),
        out_shape=jax.ShapeDtypeStruct((2 * N, HH), jnp.float32),
    )(x, W1)

    agg_full = _message(src_p, dst_p, w2d, h_stack)
    agg0 = agg_full[:N]
    agg1 = agg_full[NPAD:NPAD + N]

    dinv = dinv_pad[:N].reshape(N, 1)
    out = pl.pallas_call(
        _head_body,
        grid=(nblk,),
        in_specs=[
            pl.BlockSpec((blk, HH), lambda i: (i, 0)),
            pl.BlockSpec((blk, HH), lambda i: (i, 0)),
            pl.BlockSpec((blk, HH), lambda i: (i, 0)),
            pl.BlockSpec((blk, HH), lambda i: (i + nblk, 0)),
            pl.BlockSpec((blk, 1), lambda i: (i, 0)),
            pl.BlockSpec((1, H), lambda i: (0, 0)),
            pl.BlockSpec((H, 1), lambda i: (0, 0)),
            pl.BlockSpec((1, 1), lambda i: (0, 0)),
        ],
        out_specs=pl.BlockSpec((blk, 1), lambda i: (i, 0)),
        out_shape=jax.ShapeDtypeStruct((N, 1), jnp.float32),
    )(agg0, agg1, h_stack, h_stack, dinv, b1.reshape(1, H), W2,
      b2.reshape(1, 1))
    return out[:, 0]

# --- scband reference (transcript-rebuilt; emitter-appended) ---
"""Pipeline reference for scband-gcnreg-46883863003258 (READ-ONLY COPY).

The authoritative reference and input builder live on the scoring server;
editing this copy changes nothing except your own understanding.
"""

import jax, jax.numpy as jnp
import numpy as np

N, E, D, H = 10000, 160000, 256, 256

def setup_inputs(seed: int = 0):
    key = jax.random.key(seed)
    ks = jax.random.split(key, 6)
    x = jax.random.normal(ks[0], (N, D), dtype=jnp.float32)
    edge_index = jax.random.randint(ks[1], (2, E), 0, N, dtype=jnp.int32)
    edge_weight = jax.random.uniform(ks[2], (E,), dtype=jnp.float32)
    W1 = jax.random.normal(ks[3], (D, H), dtype=jnp.float32) * (1.0 / np.sqrt(D))
    b1 = jnp.zeros((H,), dtype=jnp.float32)
    W2 = jax.random.normal(ks[4], (H, 1), dtype=jnp.float32) * (1.0 / np.sqrt(H))
    b2 = jnp.zeros((1,), dtype=jnp.float32)
    return {"x": x, "edge_index": edge_index, "edge_weight": edge_weight, "W1": W1, "b1": b1, "W2": W2, "b2": b2}

def reference(x, edge_index, edge_weight, W1, b1, W2, b2):
    # GCNConv with add_self_loops=True and symmetric normalization (PyG semantics)
    n = x.shape[0]
    src = edge_index[0]
    dst = edge_index[1]
    loop = jnp.arange(n, dtype=src.dtype)
    src_f = jnp.concatenate([src, loop])
    dst_f = jnp.concatenate([dst, loop])
    ew = jnp.concatenate([edge_weight, jnp.ones((n,), dtype=edge_weight.dtype)])
    deg = jnp.zeros((n,), dtype=edge_weight.dtype).at[dst_f].add(ew)
    dinv = jnp.where(deg > 0, jax.lax.rsqrt(jnp.maximum(deg, 1e-12)), 0.0)
    norm = dinv[src_f] * ew * dinv[dst_f]
    h = x @ W1
    msg = h[src_f] * norm[:, None]
    agg = jnp.zeros_like(h).at[dst_f].add(msg)
    h1 = jax.nn.relu(agg + b1)
    out = (h1 @ W2 + b2)
    return out.squeeze(-1)

if __name__ == "__main__":
    import jax
    _d = setup_inputs()
    print(jax.jit(kernel)(*tuple(_d.values())))

</pallas_src>

<mosaic_0001>
#map = affine_map<(d0, d1) -> (0, 0)>
#map1 = affine_map<(d0, d1) -> (0)>
module attributes {stable_mosaic.version = 14 : i64} {
  func.func @_deg_dinv(%arg0: i32, %arg1: i32, %arg2: memref<1280x128xi32, #tpu.memory_space<hbm>>, %arg3: memref<1280x128xi32, #tpu.memory_space<hbm>>, %arg4: memref<1280x128xf32, #tpu.memory_space<hbm>>, %arg5: memref<10240xf32, #tpu.memory_space<hbm>>, %arg6: memref<2560x128xf32, #tpu.memory_space<hbm>>, %arg7: memref<80x128xi32, #tpu.memory_space<vmem>>, %arg8: memref<80x128xi32, #tpu.memory_space<vmem>>, %arg9: memref<80x128xf32, #tpu.memory_space<vmem>>, %arg10: memref<80x128xf32, #tpu.memory_space<vmem>>, %arg11: memref<640xf32, #tpu.memory_space<vmem>>, %arg12: memref<10240xf32, #tpu.memory_space<vmem>>, %arg13: memref<10240xf32, #tpu.memory_space<vmem>>, %arg14: memref<10240xf32, #tpu.memory_space<vmem_shared>>) attributes {dimension_semantics = [#tpu.dimension_semantics<core_parallel>, #tpu.dimension_semantics<subcore_parallel>], iteration_bounds = array<i64: 2, 16>, scalar_prefetch = 0 : i64, scratch_operands = 8 : i64, tpu.core_type = #tpu.core_type<sc_vector_subcore>, window_params = [{transform_indices = #map}, {transform_indices = #map}, {transform_indices = #map}, {transform_indices = #map1}, {transform_indices = #map}]} {
    %scan3A = arith.constant 0 : i32
    %scan3A_0 = arith.constant 0 : i32
    %scan3A_1 = arith.constant 40 : i32
    %scan3A_2 = arith.addi %scan3A_0, %scan3A_1 : i32
    %scan3A_3 = arith.constant 4 : i32
    %scan3A_4 = scf.for %scan3A_44 = %scan3A_0 to %scan3A_2 step %scan3A_3 iter_args(%scan3A_45 = %scan3A) -> (i32)  : i32 {
      %broadcast_in_dim3A = arith.constant 1.000000e+00 : f32
      %broadcast_in_dim3A_46 = vector.broadcast %broadcast_in_dim3A : f32 to vector<16xf32>
      %mul3A_47 = arith.constant 16 : i32
      %mul3A_48 = arith.muli %scan3A_44, %mul3A_47 : i32
      %swap3A = arith.index_cast %mul3A_48 : i32 to index
      %swap3A_49 = tpu.vector_load %arg11[%swap3A] {strides = array<i32>} : memref<640xf32, #tpu.memory_space<vmem>>, vector<16xf32>,
      tpu.vector_store %arg11[%swap3A], %broadcast_in_dim3A_46 {strides = array<i32>} : memref<640xf32, #tpu.memory_space<vmem>>, vector<16xf32>,
      %scan3A_50 = arith.constant 0 : i32
      %scan3A_51 = arith.constant 1 : i32
      %scan3A_52 = arith.addi %scan3A_44, %scan3A_51 : i32
      %broadcast_in_dim3A_53 = arith.constant 1.000000e+00 : f32
      %broadcast_in_dim3A_54 = vector.broadcast %broadcast_in_dim3A_53 : f32 to vector<16xf32>
      %mul3A_55 = arith.constant 16 : i32
      %mul3A_56 = arith.muli %scan3A_52, %mul3A_55 : i32
      %swap3A_57 = arith.index_cast %mul3A_56 : i32 to index
      %swap3A_58 = tpu.vector_load %arg11[%swap3A_57] {strides = array<i32>} : memref<640xf32, #tpu.memory_space<vmem>>, vector<16xf32>,
      tpu.vector_store %arg11[%swap3A_57], %broadcast_in_dim3A_54 {strides = array<i32>} : memref<640xf32, #tpu.memory_space<vmem>>, vector<16xf32>,
      %scan3A_59 = arith.constant 0 : i32
      %scan3A_60 = arith.constant 2 : i32
      %scan3A_61 = arith.addi %scan3A_44, %scan3A_60 : i32
      %broadcast_in_dim3A_62 = arith.constant 1.000000e+00 : f32
      %broadcast_in_dim3A_63 = vector.broadcast %broadcast_in_dim3A_62 : f32 to vector<16xf32>
      %mul3A_64 = arith.constant 16 : i32
      %mul3A_65 = arith.muli %scan3A_61, %mul3A_64 : i32
      %swap3A_66 = arith.index_cast %mul3A_65 : i32 to index
      %swap3A_67 = tpu.vector_load %arg11[%swap3A_66] {strides = array<i32>} : memref<640xf32, #tpu.memory_space<vmem>>, vector<16xf32>,
      tpu.vector_store %arg11[%swap3A_66], %broadcast_in_dim3A_63 {strides = array<i32>} : memref<640xf32, #tpu.memory_space<vmem>>, vector<16xf32>,
      %scan3A_68 = arith.constant 0 : i32
      %scan3A_69 = arith.constant 3 : i32
      %scan3A_70 = arith.addi %scan3A_44, %scan3A_69 : i32
      %broadcast_in_dim3A_71 = arith.constant 1.000000e+00 : f32
      %broadcast_in_dim3A_72 = vector.broadcast %broadcast_in_dim3A_71 : f32 to vector<16xf32>
      %mul3A_73 = arith.constant 16 : i32
      %mul3A_74 = arith.muli %scan3A_70, %mul3A_73 : i32
      %swap3A_75 = arith.index_cast %mul3A_74 : i32 to index
      %swap3A_76 = tpu.vector_load %arg11[%swap3A_75] {strides = array<i32>} : memref<640xf32, #tpu.memory_space<vmem>>, vector<16xf32>,
      tpu.vector_store %arg11[%swap3A_75], %broadcast_in_dim3A_72 {strides = array<i32>} : memref<640xf32, #tpu.memory_space<vmem>>, vector<16xf32>,
      %scan3A_77 = arith.constant 0 : i32
      scf.yield %scan3A_77 : i32
    }
    %scan3A_5 = arith.constant 40 : i32
    %mul3A = arith.constant 640 : i32
    %mul3A_6 = arith.muli %arg1, %mul3A : i32
    "tpu.region"() ({
      %run_scoped3A = tpu.sem_alloc : memref<!tpu.dma_semaphore, #tpu.memory_space<semaphore_mem>>
      %dma_start3A = tpu.memref_slice %arg14[%mul3A_6] : memref<10240xf32, #tpu.memory_space<vmem_shared>> -> memref<640xf32, #tpu.memory_space<vmem_shared>>
      %dma_start3A_44 = tpu.memref_slice %arg14[%mul3A_6] : memref<10240xf32, #tpu.memory_space<vmem_shared>> -> memref<640xf32, #tpu.memory_space<vmem_shared>>
      tpu.enqueue_dma source(%arg11 : memref<640xf32, #tpu.memory_space<vmem>>) target(%dma_start3A_44 : memref<640xf32, #tpu.memory_space<vmem_shared>>) target_semaphore(%run_scoped3A : memref<!tpu.dma_semaphore, #tpu.memory_space<semaphore_mem>>)
      %dma_wait3A = tpu.memref_slice %arg14[%mul3A_6] : memref<10240xf32, #tpu.memory_space<vmem_shared>> -> memref<640xf32, #tpu.memory_space<vmem_shared>>
      %dma_wait3A_45 = tpu.memref_slice %arg14[%mul3A_6] : memref<10240xf32, #tpu.memory_space<vmem_shared>> -> memref<640xf32, #tpu.memory_space<vmem_shared>>
      tpu.wait_dma2 semaphore(%run_scoped3A : memref<!tpu.dma_semaphore, #tpu.memory_space<semaphore_mem>>) src(%arg11 : memref<640xf32, #tpu.memory_space<vmem>>) dst(%dma_wait3A_45 : memref<640xf32, #tpu.memory_space<vmem_shared>>)
      tpu.yield
    }) : () -> ()
    %barrier3A = arith.constant 0 : index
    tpu.barrier barrier_id(%barrier3A)
    %mul3A_7 = arith.constant 80 : i32
    %mul3A_8 = arith.muli %arg1, %mul3A_7 : i32
    "tpu.region"() ({
      %run_scoped3A = tpu.sem_alloc : memref<!tpu.dma_semaphore, #tpu.memory_space<semaphore_mem>>
      %dma_start3A = arith.constant 0 : i32
      %dma_start3A_44 = tpu.memref_slice %arg2[%mul3A_8, %dma_start3A] : memref<1280x128xi32, #tpu.memory_space<hbm>> -> memref<80x128xi32, #tpu.memory_space<hbm>>
      %dma_start3A_45 = arith.constant 0 : i32
      %dma_start3A_46 = tpu.memref_slice %arg2[%mul3A_8, %dma_start3A_45] : memref<1280x128xi32, #tpu.memory_space<hbm>> -> memref<80x128xi32, #tpu.memory_space<hbm>>
      tpu.enqueue_dma source(%dma_start3A_46 : memref<80x128xi32, #tpu.memory_space<hbm>>) target(%arg7 : memref<80x128xi32, #tpu.memory_space<vmem>>) target_semaphore(%run_scoped3A : memref<!tpu.dma_semaphore, #tpu.memory_space<semaphore_mem>>)
      %dma_wait3A = arith.constant 0 : i32
      %dma_wait3A_47 = tpu.memref_slice %arg2[%mul3A_8, %dma_wait3A] : memref<1280x128xi32, #tpu.memory_space<hbm>> -> memref<80x128xi32, #tpu.memory_space<hbm>>
      %dma_wait3A_48 = arith.constant 0 : i32
      %dma_wait3A_49 = tpu.memref_slice %arg2[%mul3A_8, %dma_wait3A_48] : memref<1280x128xi32, #tpu.memory_space<hbm>> -> memref<80x128xi32, #tpu.memory_space<hbm>>
      tpu.wait_dma2 semaphore(%run_scoped3A : memref<!tpu.dma_semaphore, #tpu.memory_space<semaphore_mem>>) src(%dma_wait3A_49 : memref<80x128xi32, #tpu.memory_space<hbm>>) dst(%arg7 : memref<80x128xi32, #tpu.memory_space<vmem>>)
      tpu.yield
    }) : () -> ()
    %mul3A_9 = arith.constant 80 : i32
    %mul3A_10 = arith.muli %arg1, %mul3A_9 : i32
    "tpu.region"() ({
      %run_scoped3A = tpu.sem_alloc : memref<!tpu.dma_semaphore, #tpu.memory_space<semaphore_mem>>
      %dma_start3A = arith.constant 0 : i32
      %dma_start3A_44 = tpu.memref_slice %arg3[%mul3A_10, %dma_start3A] : memref<1280x128xi32, #tpu.memory_space<hbm>> -> memref<80x128xi32, #tpu.memory_space<hbm>>
      %dma_start3A_45 = arith.constant 0 : i32
      %dma_start3A_46 = tpu.memref_slice %arg3[%mul3A_10, %dma_start3A_45] : memref<1280x128xi32, #tpu.memory_space<hbm>> -> memref<80x128xi32, #tpu.memory_space<hbm>>
      tpu.enqueue_dma source(%dma_start3A_46 : memref<80x128xi32, #tpu.memory_space<hbm>>) target(%arg8 : memref<80x128xi32, #tpu.memory_space<vmem>>) target_semaphore(%run_scoped3A : memref<!tpu.dma_semaphore, #tpu.memory_space<semaphore_mem>>)
      %dma_wait3A = arith.constant 0 : i32
      %dma_wait3A_47 = tpu.memref_slice %arg3[%mul3A_10, %dma_wait3A] : memref<1280x128xi32, #tpu.memory_space<hbm>> -> memref<80x128xi32, #tpu.memory_space<hbm>>
      %dma_wait3A_48 = arith.constant 0 : i32
      %dma_wait3A_49 = tpu.memref_slice %arg3[%mul3A_10, %dma_wait3A_48] : memref<1280x128xi32, #tpu.memory_space<hbm>> -> memref<80x128xi32, #tpu.memory_space<hbm>>
      tpu.wait_dma2 semaphore(%run_scoped3A : memref<!tpu.dma_semaphore, #tpu.memory_space<semaphore_mem>>) src(%dma_wait3A_49 : memref<80x128xi32, #tpu.memory_space<hbm>>) dst(%arg8 : memref<80x128xi32, #tpu.memory_space<vmem>>)
      tpu.yield
    }) : () -> ()
    %mul3A_11 = arith.constant 80 : i32
    %mul3A_12 = arith.muli %arg1, %mul3A_11 : i32
    "tpu.region"() ({
      %run_scoped3A = tpu.sem_alloc : memref<!tpu.dma_semaphore, #tpu.memory_space<semaphore_mem>>
      %dma_start3A = arith.constant 0 : i32
      %dma_start3A_44 = tpu.memref_slice %arg4[%mul3A_12, %dma_start3A] : memref<1280x128xf32, #tpu.memory_space<hbm>> -> memref<80x128xf32, #tpu.memory_space<hbm>>
      %dma_start3A_45 = arith.constant 0 : i32
      %dma_start3A_46 = tpu.memref_slice %arg4[%mul3A_12, %dma_start3A_45] : memref<1280x128xf32, #tpu.memory_space<hbm>> -> memref<80x128xf32, #tpu.memory_space<hbm>>
      tpu.enqueue_dma source(%dma_start3A_46 : memref<80x128xf32, #tpu.memory_space<hbm>>) target(%arg9 : memref<80x128xf32, #tpu.memory_space<vmem>>) target_semaphore(%run_scoped3A : memref<!tpu.dma_semaphore, #tpu.memory_space<semaphore_mem>>)
      %dma_wait3A = arith.constant 0 : i32
      %dma_wait3A_47 = tpu.memref_slice %arg4[%mul3A_12, %dma_wait3A] : memref<1280x128xf32, #tpu.memory_space<hbm>> -> memref<80x128xf32, #tpu.memory_space<hbm>>
      %dma_wait3A_48 = arith.constant 0 : i32
      %dma_wait3A_49 = tpu.memref_slice %arg4[%mul3A_12, %dma_wait3A_48] : memref<1280x128xf32, #tpu.memory_space<hbm>> -> memref<80x128xf32, #tpu.memory_space<hbm>>
      tpu.wait_dma2 semaphore(%run_scoped3A : memref<!tpu.dma_semaphore, #tpu.memory_space<semaphore_mem>>) src(%dma_wait3A_49 : memref<80x128xf32, #tpu.memory_space<hbm>>) dst(%arg9 : memref<80x128xf32, #tpu.memory_space<vmem>>)
      tpu.yield
    }) : () -> ()
    %scan3A_13 = arith.constant 0 : i32
    %scan3A_14 = arith.constant 0 : i32
    %scan3A_15 = arith.constant 80 : i32
    %scan3A_16 = arith.addi %scan3A_14, %scan3A_15 : i32
    %scan3A_17 = arith.constant 1 : i32
    %scan3A_18 = scf.for %scan3A_44 = %scan3A_14 to %scan3A_16 step %scan3A_17 iter_args(%scan3A_45 = %scan3A_13) -> (i32)  : i32 {
      "tpu.region"() ({
        %run_scoped3A = tpu.sem_alloc : memref<!tpu.dma_semaphore, #tpu.memory_space<semaphore_mem>>
        %dma_start3A = arith.constant 0 : i32
        %dma_start3A_47 = tpu.memref_slice %arg9[%scan3A_44, %dma_start3A] : memref<80x128xf32, #tpu.memory_space<vmem>> -> memref<1x128xf32, #tpu.memory_space<vmem>>
        %dma_start3A_48 = tpu.memref_squeeze %dma_start3A_47 : memref<1x128xf32, #tpu.memory_space<vmem>> -> memref<128xf32, #tpu.memory_space<vmem>>
        %dma_start3A_49 = arith.constant 0 : i32
        %dma_start3A_50 = tpu.memref_slice %arg8[%scan3A_44, %dma_start3A_49] : memref<80x128xi32, #tpu.memory_space<vmem>> -> memref<1x128xi32, #tpu.memory_space<vmem>>
        %dma_start3A_51 = tpu.memref_squeeze %dma_start3A_50 : memref<1x128xi32, #tpu.memory_space<vmem>> -> memref<128xi32, #tpu.memory_space<vmem>>
        %dma_start3A_52 = arith.constant 0 : i32
        %dma_start3A_53 = tpu.memref_slice %arg14[%dma_start3A_52] : memref<10240xf32, #tpu.memory_space<vmem_shared>> -> memref<10240xf32, #tpu.memory_space<vmem_shared>>
        tpu.enqueue_indirect_dma source(%dma_start3A_48 : memref<128xf32, #tpu.memory_space<vmem>>) target(%dma_start3A_53 : memref<10240xf32, #tpu.memory_space<vmem_shared>>) offsets(%dma_start3A_51 : memref<128xi32, #tpu.memory_space<vmem>>) semaphore(%run_scoped3A : memref<!tpu.dma_semaphore, #tpu.memory_space<semaphore_mem>>) {add = true}
        %dma_wait3A = arith.constant 0 : i32
        %dma_wait3A_54 = tpu.memref_slice %arg9[%scan3A_44, %dma_wait3A] : memref<80x128xf32, #tpu.memory_space<vmem>> -> memref<1x128xf32, #tpu.memory_space<vmem>>
        %dma_wait3A_55 = tpu.memref_squeeze %dma_wait3A_54 : memref<1x128xf32, #tpu.memory_space<vmem>> -> memref<128xf32, #tpu.memory_space<vmem>>
        %dma_wait3A_56 = arith.constant 0 : i32
        %dma_wait3A_57 = tpu.memref_slice %arg8[%scan3A_44, %dma_wait3A_56] : memref<80x128xi32, #tpu.memory_space<vmem>> -> memref<1x128xi32, #tpu.memory_space<vmem>>
        %dma_wait3A_58 = tpu.memref_squeeze %dma_wait3A_57 : memref<1x128xi32, #tpu.memory_space<vmem>> -> memref<128xi32, #tpu.memory_space<vmem>>
        %dma_wait3A_59 = arith.constant 0 : i32
        %dma_wait3A_60 = tpu.memref_slice %arg14[%dma_wait3A_59] : memref<10240xf32, #tpu.memory_space<vmem_shared>> -> memref<10240xf32, #tpu.memory_space<vmem_shared>>
        tpu.wait_indirect_dma semaphore(%run_scoped3A : memref<!tpu.dma_semaphore, #tpu.memory_space<semaphore_mem>>) src(%dma_wait3A_55 : memref<128xf32, #tpu.memory_space<vmem>>) dst(%dma_wait3A_60 : memref<10240xf32, #tpu.memory_space<vmem_shared>>)
        tpu.yield
      }) : () -> ()
      %scan3A_46 = arith.constant 0 : i32
      scf.yield %scan3A_46 : i32
    }
    %scan3A_19 = arith.constant 80 : i32
    %barrier3A_20 = arith.constant 0 : index
    tpu.barrier barrier_id(%barrier3A_20)
    "tpu.region"() ({
      %run_scoped3A = tpu.sem_alloc : memref<!tpu.dma_semaphore, #tpu.memory_space<semaphore_mem>>
      tpu.enqueue_dma source(%arg14 : memref<10240xf32, #tpu.memory_space<vmem_shared>>) target(%arg12 : memref<10240xf32, #tpu.memory_space<vmem>>) target_semaphore(%run_scoped3A : memref<!tpu.dma_semaphore, #tpu.memory_space<semaphore_mem>>)
      tpu.wait_dma2 semaphore(%run_scoped3A : memref<!tpu.dma_semaphore, #tpu.memory_space<semaphore_mem>>) src(%arg14 : memref<10240xf32, #tpu.memory_space<vmem_shared>>) dst(%arg12 : memref<10240xf32, #tpu.memory_space<vmem>>)
      tpu.yield
    }) : () -> ()
    %scan3A_21 = arith.constant 0 : i32
    %scan3A_22 = arith.constant 0 : i32
    %scan3A_23 = arith.constant 640 : i32
    %scan3A_24 = arith.addi %scan3A_22, %scan3A_23 : i32
    %scan3A_25 = arith.constant 2 : i32
    %scan3A_26 = scf.for %scan3A_44 = %scan3A_22 to %scan3A_24 step %scan3A_25 iter_args(%scan3A_45 = %scan3A_21) -> (i32)  : i32 {
      %mul3A_46 = arith.constant 16 : i32
      %mul3A_47 = arith.muli %scan3A_44, %mul3A_46 : i32
      %get3A = arith.index_cast %mul3A_47 : i32 to index
      %get3A_48 = tpu.vector_load %arg12[%get3A] {strides = array<i32>} : memref<10240xf32, #tpu.memory_space<vmem>>, vector<16xf32>,
      %bitcast_convert_type3A = tpu.bitcast %get3A_48 : vector<16xf32> -> vector<16xi32>
      %shift_right_arithmetic3A = arith.constant 1 : i32
      %shift_right_arithmetic3A_49 = vector.broadcast %shift_right_arithmetic3A : i32 to vector<16xi32>
      %shift_right_arithmetic3A_50 = arith.shrsi %bitcast_convert_type3A, %shift_right_arithmetic3A_49 : vector<16xi32>
      %sub3A = arith.constant 1597463007 : i32
      %sub3A_51 = vector.broadcast %sub3A : i32 to vector<16xi32>
      %sub3A_52 = arith.subi %sub3A_51, %shift_right_arithmetic3A_50 : vector<16xi32>
      %bitcast_convert_type3A_53 = tpu.bitcast %sub3A_52 : vector<16xi32> -> vector<16xf32>
      %mul3A_54 = arith.constant 5.000000e-01 : f32
      %mul3A_55 = vector.broadcast %mul3A_54 : f32 to vector<16xf32>
      %mul3A_56 = arith.mulf %mul3A_55, %get3A_48 : vector<16xf32>
      %mul3A_57 = arith.mulf %mul3A_56, %bitcast_convert_type3A_53 : vector<16xf32>
      %mul3A_58 = arith.mulf %mul3A_57, %bitcast_convert_type3A_53 : vector<16xf32>
      %sub3A_59 = arith.constant 1.500000e+00 : f32
      %sub3A_60 = vector.broadcast %sub3A_59 : f32 to vector<16xf32>
      %sub3A_61 = arith.subf %sub3A_60, %mul3A_58 : vector<16xf32>
      %mul3A_62 = arith.mulf %bitcast_convert_type3A_53, %sub3A_61 : vector<16xf32>
      %mul3A_63 = arith.constant 5.000000e-01 : f32
      %mul3A_64 = vector.broadcast %mul3A_63 : f32 to vector<16xf32>
      %mul3A_65 = arith.mulf %mul3A_64, %get3A_48 : vector<16xf32>
      %mul3A_66 = arith.mulf %mul3A_65, %mul3A_62 : vector<16xf32>
      %mul3A_67 = arith.mulf %mul3A_66, %mul3A_62 : vector<16xf32>
      %sub3A_68 = arith.constant 1.500000e+00 : f32
      %sub3A_69 = vector.broadcast %sub3A_68 : f32 to vector<16xf32>
      %sub3A_70 = arith.subf %sub3A_69, %mul3A_67 : vector<16xf32>
      %mul3A_71 = arith.mulf %mul3A_62, %sub3A_70 : vector<16xf32>
      %mul3A_72 = arith.constant 5.000000e-01 : f32
      %mul3A_73 = vector.broadcast %mul3A_72 : f32 to vector<16xf32>
      %mul3A_74 = arith.mulf %mul3A_73, %get3A_48 : vector<16xf32>
      %mul3A_75 = arith.mulf %mul3A_74, %mul3A_71 : vector<16xf32>
      %mul3A_76 = arith.mulf %mul3A_75, %mul3A_71 : vector<16xf32>
      %sub3A_77 = arith.constant 1.500000e+00 : f32
      %sub3A_78 = vector.broadcast %sub3A_77 : f32 to vector<16xf32>
      %sub3A_79 = arith.subf %sub3A_78, %mul3A_76 : vector<16xf32>
      %mul3A_80 = arith.mulf %mul3A_71, %sub3A_79 : vector<16xf32>
      %swap3A = arith.index_cast %mul3A_47 : i32 to index
      %swap3A_81 = tpu.vector_load %arg13[%swap3A] {strides = array<i32>} : memref<10240xf32, #tpu.memory_space<vmem>>, vector<16xf32>,
      tpu.vector_store %arg13[%swap3A], %mul3A_80 {strides = array<i32>} : memref<10240xf32, #tpu.memory_space<vmem>>, vector<16xf32>,
      %scan3A_82 = arith.constant 0 : i32
      %scan3A_83 = arith.constant 1 : i32
      %scan3A_84 = arith.addi %scan3A_44, %scan3A_83 : i32
      %mul3A_85 = arith.constant 16 : i32
      %mul3A_86 = arith.muli %scan3A_84, %mul3A_85 : i32
      %get3A_87 = arith.index_cast %mul3A_86 : i32 to index
      %get3A_88 = tpu.vector_load %arg12[%get3A_87] {strides = array<i32>} : memref<10240xf32, #tpu.memory_space<vmem>>, vector<16xf32>,
      %bitcast_convert_type3A_89 = tpu.bitcast %get3A_88 : vector<16xf32> -> vector<16xi32>
      %shift_right_arithmetic3A_90 = arith.constant 1 : i32
      %shift_right_arithmetic3A_91 = vector.broadcast %shift_right_arithmetic3A_90 : i32 to vector<16xi32>
      %shift_right_arithmetic3A_92 = arith.shrsi %bitcast_convert_type3A_89, %shift_right_arithmetic3A_91 : vector<16xi32>
      %sub3A_93 = arith.constant 1597463007 : i32
      %sub3A_94 = vector.broadcast %sub3A_93 : i32 to vector<16xi32>
      %sub3A_95 = arith.subi %sub3A_94, %shift_right_arithmetic3A_92 : vector<16xi32>
      %bitcast_convert_type3A_96 = tpu.bitcast %sub3A_95 : vector<16xi32> -> vector<16xf32>
      %mul3A_97 = arith.constant 5.000000e-01 : f32
      %mul3A_98 = vector.broadcast %mul3A_97 : f32 to vector<16xf32>
      %mul3A_99 = arith.mulf %mul3A_98, %get3A_88 : vector<16xf32>
      %mul3A_100 = arith.mulf %mul3A_99, %bitcast_convert_type3A_96 : vector<16xf32>
      %mul3A_101 = arith.mulf %mul3A_100, %bitcast_convert_type3A_96 : vector<16xf32>
      %sub3A_102 = arith.constant 1.500000e+00 : f32
      %sub3A_103 = vector.broadcast %sub3A_102 : f32 to vector<16xf32>
      %sub3A_104 = arith.subf %sub3A_103, %mul3A_101 : vector<16xf32>
      %mul3A_105 = arith.mulf %bitcast_convert_type3A_96, %sub3A_104 : vector<16xf32>
      %mul3A_106 = arith.constant 5.000000e-01 : f32
      %mul3A_107 = vector.broadcast %mul3A_106 : f32 to vector<16xf32>
      %mul3A_108 = arith.mulf %mul3A_107, %get3A_88 : vector<16xf32>
      %mul3A_109 = arith.mulf %mul3A_108, %mul3A_105 : vector<16xf32>
      %mul3A_110 = arith.mulf %mul3A_109, %mul3A_105 : vector<16xf32>
      %sub3A_111 = arith.constant 1.500000e+00 : f32
      %sub3A_112 = vector.broadcast %sub3A_111 : f32 to vector<16xf32>
      %sub3A_113 = arith.subf %sub3A_112, %mul3A_110 : vector<16xf32>
      %mul3A_114 = arith.mulf %mul3A_105, %sub3A_113 : vector<16xf32>
      %mul3A_115 = arith.constant 5.000000e-01 : f32
      %mul3A_116 = vector.broadcast %mul3A_115 : f32 to vector<16xf32>
      %mul3A_117 = arith.mulf %mul3A_116, %get3A_88 : vector<16xf32>
      %mul3A_118 = arith.mulf %mul3A_117, %mul3A_114 : vector<16xf32>
      %mul3A_119 = arith.mulf %mul3A_118, %mul3A_114 : vector<16xf32>
      %sub3A_120 = arith.constant 1.500000e+00 : f32
      %sub3A_121 = vector.broadcast %sub3A_120 : f32 to vector<16xf32>
      %sub3A_122 = arith.subf %sub3A_121, %mul3A_119 : vector<16xf32>
      %mul3A_123 = arith.mulf %mul3A_114, %sub3A_122 : vector<16xf32>
      %swap3A_124 = arith.index_cast %mul3A_86 : i32 to index
      %swap3A_125 = tpu.vector_load %arg13[%swap3A_124] {strides = array<i32>} : memref<10240xf32, #tpu.memory_space<vmem>>, vector<16xf32>,
      tpu.vector_store %arg13[%swap3A_124], %mul3A_123 {strides = array<i32>} : memref<10240xf32, #tpu.memory_space<vmem>>, vector<16xf32>,
      %scan3A_126 = arith.constant 0 : i32
      scf.yield %scan3A_126 : i32
    }
    %scan3A_27 = arith.constant 640 : i32
    %mul3A_28 = arith.constant 16 : i32
    %mul3A_29 = arith.muli %arg0, %mul3A_28 : i32
    %add3A = arith.addi %mul3A_29, %arg1 : i32
    %mul3A_30 = arith.constant 320 : i32
    %mul3A_31 = arith.muli %add3A, %mul3A_30 : i32
    "tpu.region"() ({
      %run_scoped3A = tpu.sem_alloc : memref<!tpu.dma_semaphore, #tpu.memory_space<semaphore_mem>>
      %dma_start3A = tpu.memref_slice %arg13[%mul3A_31] : memref<10240xf32, #tpu.memory_space<vmem>> -> memref<320xf32, #tpu.memory_space<vmem>>
      %dma_start3A_44 = tpu.memref_slice %arg5[%mul3A_31] : memref<10240xf32, #tpu.memory_space<hbm>> -> memref<320xf32, #tpu.memory_space<hbm>>
      %dma_start3A_45 = tpu.memref_slice %arg5[%mul3A_31] : memref<10240xf32, #tpu.memory_space<hbm>> -> memref<320xf32, #tpu.memory_space<hbm>>
      %dma_start3A_46 = tpu.memref_slice %arg13[%mul3A_31] : memref<10240xf32, #tpu.memory_space<vmem>> -> memref<320xf32, #tpu.memory_space<vmem>>
      tpu.enqueue_dma source(%dma_start3A_46 : memref<320xf32, #tpu.memory_space<vmem>>) target(%dma_start3A_45 : memref<320xf32, #tpu.memory_space<hbm>>) target_semaphore(%run_scoped3A : memref<!tpu.dma_semaphore, #tpu.memory_space<semaphore_mem>>)
      %dma_wait3A = tpu.memref_slice %arg13[%mul3A_31] : memref<10240xf32, #tpu.memory_space<vmem>> -> memref<320xf32, #tpu.memory_space<vmem>>
      %dma_wait3A_47 = tpu.memref_slice %arg5[%mul3A_31] : memref<10240xf32, #tpu.memory_space<hbm>> -> memref<320xf32, #tpu.memory_space<hbm>>
      %dma_wait3A_48 = tpu.memref_slice %arg5[%mul3A_31] : memref<10240xf32, #tpu.memory_space<hbm>> -> memref<320xf32, #tpu.memory_space<hbm>>
      %dma_wait3A_49 = tpu.memref_slice %arg13[%mul3A_31] : memref<10240xf32, #tpu.memory_space<vmem>> -> memref<320xf32, #tpu.memory_space<vmem>>
      tpu.wait_dma2 semaphore(%run_scoped3A : memref<!tpu.dma_semaphore, #tpu.memory_space<semaphore_mem>>) src(%dma_wait3A_49 : memref<320xf32, #tpu.memory_space<vmem>>) dst(%dma_wait3A_48 : memref<320xf32, #tpu.memory_space<hbm>>)
      tpu.yield
    }) : () -> ()
    %scan3A_32 = arith.constant 0 : i32
    %scan3A_33 = arith.constant 0 : i32
    %scan3A_34 = arith.constant 80 : i32
    %scan3A_35 = arith.addi %scan3A_33, %scan3A_34 : i32
    %scan3A_36 = arith.constant 1 : i32
    %scan3A_37 = scf.for %scan3A_44 = %scan3A_33 to %scan3A_35 step %scan3A_36 iter_args(%scan3A_45 = %scan3A_32) -> (i32)  : i32 {
      %get3A = arith.index_cast %scan3A_44 : i32 to index
      %get3A_46 = arith.constant 0 : index
      %get3A_47 = tpu.vector_load %arg9[%get3A, %get3A_46] {strides = array<i32>} : memref<80x128xf32, #tpu.memory_space<vmem>>, vector<16xf32>,
      %get3A_48 = arith.index_cast %scan3A_44 : i32 to index
      %get3A_49 = arith.constant 0 : index
      %get3A_50 = tpu.vector_load %arg7[%get3A_48, %get3A_49] {strides = array<i32>} : memref<80x128xi32, #tpu.memory_space<vmem>>, vector<16xi32>,
      %gather3A = tpu.vector_load_idx %arg13[%get3A_50] : memref<10240xf32, #tpu.memory_space<vmem>>[vector<16xi32>], vector<16xf32>,
      %mul3A_51 = arith.mulf %get3A_47, %gather3A : vector<16xf32>
      %swap3A = arith.index_cast %scan3A_44 : i32 to index
      %swap3A_52 = arith.constant 0 : index
      %swap3A_53 = tpu.vector_load %arg10[%swap3A, %swap3A_52] {strides = array<i32>} : memref<80x128xf32, #tpu.memory_space<vmem>>, vector<16xf32>,
      tpu.vector_store %arg10[%swap3A, %swap3A_52], %mul3A_51 {strides = array<i32>} : memref<80x128xf32, #tpu.memory_space<vmem>>, vector<16xf32>,
      %get3A_54 = arith.index_cast %scan3A_44 : i32 to index
      %get3A_55 = arith.constant 16 : index
      %get3A_56 = tpu.vector_load %arg9[%get3A_54, %get3A_55] {strides = array<i32>} : memref<80x128xf32, #tpu.memory_space<vmem>>, vector<16xf32>,
      %get3A_57 = arith.index_cast %scan3A_44 : i32 to index
      %get3A_58 = arith.constant 16 : index
      %get3A_59 = tpu.vector_load %arg7[%get3A_57, %get3A_58] {strides = array<i32>} : memref<80x128xi32, #tpu.memory_space<vmem>>, vector<16xi32>,
      %gather3A_60 = tpu.vector_load_idx %arg13[%get3A_59] : memref<10240xf32, #tpu.memory_space<vmem>>[vector<16xi32>], vector<16xf32>,
      %mul3A_61 = arith.mulf %get3A_56, %gather3A_60 : vector<16xf32>
      %swap3A_62 = arith.index_cast %scan3A_44 : i32 to index
      %swap3A_63 = arith.constant 16 : index
      %swap3A_64 = tpu.vector_load %arg10[%swap3A_62, %swap3A_63] {strides = array<i32>} : memref<80x128xf32, #tpu.memory_space<vmem>>, vector<16xf32>,
      tpu.vector_store %arg10[%swap3A_62, %swap3A_63], %mul3A_61 {strides = array<i32>} : memref<80x128xf32, #tpu.memory_space<vmem>>, vector<16xf32>,
      %get3A_65 = arith.index_cast %scan3A_44 : i32 to index
      %get3A_66 = arith.constant 32 : index
      %get3A_67 = tpu.vector_load %arg9[%get3A_65, %get3A_66] {strides = array<i32>} : memref<80x128xf32, #tpu.memory_space<vmem>>, vector<16xf32>,
      %get3A_68 = arith.index_cast %scan3A_44 : i32 to index
      %get3A_69 = arith.constant 32 : index
      %get3A_70 = tpu.vector_load %arg7[%get3A_68, %get3A_69] {strides = array<i32>} : memref<80x128xi32, #tpu.memory_space<vmem>>, vector<16xi32>,
      %gather3A_71 = tpu.vector_load_idx %arg13[%get3A_70] : memref<10240xf32, #tpu.memory_space<vmem>>[vector<16xi32>], vector<16xf32>,
      %mul3A_72 = arith.mulf %get3A_67, %gather3A_71 : vector<16xf32>
      %swap3A_73 = arith.index_cast %scan3A_44 : i32 to index
      %swap3A_74 = arith.constant 32 : index
      %swap3A_75 = tpu.vector_load %arg10[%swap3A_73, %swap3A_74] {strides = array<i32>} : memref<80x128xf32, #tpu.memory_space<vmem>>, vector<16xf32>,
      tpu.vector_store %arg10[%swap3A_73, %swap3A_74], %mul3A_72 {strides = array<i32>} : memref<80x128xf32, #tpu.memory_space<vmem>>, vector<16xf32>,
      %get3A_76 = arith.index_cast %scan3A_44 : i32 to index
      %get3A_77 = arith.constant 48 : index
      %get3A_78 = tpu.vector_load %arg9[%get3A_76, %get3A_77] {strides = array<i32>} : memref<80x128xf32, #tpu.memory_space<vmem>>, vector<16xf32>,
      %get3A_79 = arith.index_cast %scan3A_44 : i32 to index
      %get3A_80 = arith.constant 48 : index
      %get3A_81 = tpu.vector_load %arg7[%get3A_79, %get3A_80] {strides = array<i32>} : memref<80x128xi32, #tpu.memory_space<vmem>>, vector<16xi32>,
      %gather3A_82 = tpu.vector_load_idx %arg13[%get3A_81] : memref<10240xf32, #tpu.memory_space<vmem>>[vector<16xi32>], vector<16xf32>,
      %mul3A_83 = arith.mulf %get3A_78, %gather3A_82 : vector<16xf32>
      %swap3A_84 = arith.index_cast %scan3A_44 : i32 to index
      %swap3A_85 = arith.constant 48 : index
      %swap3A_86 = tpu.vector_load %arg10[%swap3A_84, %swap3A_85] {strides = array<i32>} : memref<80x128xf32, #tpu.memory_space<vmem>>, vector<16xf32>,
      tpu.vector_store %arg10[%swap3A_84, %swap3A_85], %mul3A_83 {strides = array<i32>} : memref<80x128xf32, #tpu.memory_space<vmem>>, vector<16xf32>,
      %get3A_87 = arith.index_cast %scan3A_44 : i32 to index
      %get3A_88 = arith.constant 64 : index
      %get3A_89 = tpu.vector_load %arg9[%get3A_87, %get3A_88] {strides = array<i32>} : memref<80x128xf32, #tpu.memory_space<vmem>>, vector<16xf32>,
      %get3A_90 = arith.index_cast %scan3A_44 : i32 to index
      %get3A_91 = arith.constant 64 : index
      %get3A_92 = tpu.vector_load %arg7[%get3A_90, %get3A_91] {strides = array<i32>} : memref<80x128xi32, #tpu.memory_space<vmem>>, vector<16xi32>,
      %gather3A_93 = tpu.vector_load_idx %arg13[%get3A_92] : memref<10240xf32, #tpu.memory_space<vmem>>[vector<16xi32>], vector<16xf32>,
      %mul3A_94 = arith.mulf %get3A_89, %gather3A_93 : vector<16xf32>
      %swap3A_95 = arith.index_cast %scan3A_44 : i32 to index
      %swap3A_96 = arith.constant 64 : index
      %swap3A_97 = tpu.vector_load %arg10[%swap3A_95, %swap3A_96] {strides = array<i32>} : memref<80x128xf32, #tpu.memory_space<vmem>>, vector<16xf32>,
      tpu.vector_store %arg10[%swap3A_95, %swap3A_96], %mul3A_94 {strides = array<i32>} : memref<80x128xf32, #tpu.memory_space<vmem>>, vector<16xf32>,
      %get3A_98 = arith.index_cast %scan3A_44 : i32 to index
      %get3A_99 = arith.constant 80 : index
      %get3A_100 = tpu.vector_load %arg9[%get3A_98, %get3A_99] {strides = array<i32>} : memref<80x128xf32, #tpu.memory_space<vmem>>, vector<16xf32>,
      %get3A_101 = arith.index_cast %scan3A_44 : i32 to index
      %get3A_102 = arith.constant 80 : index
      %get3A_103 = tpu.vector_load %arg7[%get3A_101, %get3A_102] {strides = array<i32>} : memref<80x128xi32, #tpu.memory_space<vmem>>, vector<16xi32>,
      %gather3A_104 = tpu.vector_load_idx %arg13[%get3A_103] : memref<10240xf32, #tpu.memory_space<vmem>>[vector<16xi32>], vector<16xf32>,
      %mul3A_105 = arith.mulf %get3A_100, %gather3A_104 : vector<16xf32>
      %swap3A_106 = arith.index_cast %scan3A_44 : i32 to index
      %swap3A_107 = arith.constant 80 : index
      %swap3A_108 = tpu.vector_load %arg10[%swap3A_106, %swap3A_107] {strides = array<i32>} : memref<80x128xf32, #tpu.memory_space<vmem>>, vector<16xf32>,
      tpu.vector_store %arg10[%swap3A_106, %swap3A_107], %mul3A_105 {strides = array<i32>} : memref<80x128xf32, #tpu.memory_space<vmem>>, vector<16xf32>,
      %get3A_109 = arith.index_cast %scan3A_44 : i32 to index
      %get3A_110 = arith.constant 96 : index
      %get3A_111 = tpu.vector_load %arg9[%get3A_109, %get3A_110] {strides = array<i32>} : memref<80x128xf32, #tpu.memory_space<vmem>>, vector<16xf32>,
      %get3A_112 = arith.index_cast %scan3A_44 : i32 to index
      %get3A_113 = arith.constant 96 : index
      %get3A_114 = tpu.vector_load %arg7[%get3A_112, %get3A_113] {strides = array<i32>} : memref<80x128xi32, #tpu.memory_space<vmem>>, vector<16xi32>,
      %gather3A_115 = tpu.vector_load_idx %arg13[%get3A_114] : memref<10240xf32, #tpu.memory_space<vmem>>[vector<16xi32>], vector<16xf32>,
      %mul3A_116 = arith.mulf %get3A_111, %gather3A_115 : vector<16xf32>
      %swap3A_117 = arith.index_cast %scan3A_44 : i32 to index
      %swap3A_118 = arith.constant 96 : index
      %swap3A_119 = tpu.vector_load %arg10[%swap3A_117, %swap3A_118] {strides = array<i32>} : memref<80x128xf32, #tpu.memory_space<vmem>>, vector<16xf32>,
      tpu.vector_store %arg10[%swap3A_117, %swap3A_118], %mul3A_116 {strides = array<i32>} : memref<80x128xf32, #tpu.memory_space<vmem>>, vector<16xf32>,
      %get3A_120 = arith.index_cast %scan3A_44 : i32 to index
      %get3A_121 = arith.constant 112 : index
      %get3A_122 = tpu.vector_load %arg9[%get3A_120, %get3A_121] {strides = array<i32>} : memref<80x128xf32, #tpu.memory_space<vmem>>, vector<16xf32>,
      %get3A_123 = arith.index_cast %scan3A_44 : i32 to index
      %get3A_124 = arith.constant 112 : index
      %get3A_125 = tpu.vector_load %arg7[%get3A_123, %get3A_124] {strides = array<i32>} : memref<80x128xi32, #tpu.memory_space<vmem>>, vector<16xi32>,
      %gather3A_126 = tpu.vector_load_idx %arg13[%get3A_125] : memref<10240xf32, #tpu.memory_space<vmem>>[vector<16xi32>], vector<16xf32>,
      %mul3A_127 = arith.mulf %get3A_122, %gather3A_126 : vector<16xf32>
      %swap3A_128 = arith.index_cast %scan3A_44 : i32 to index
      %swap3A_129 = arith.constant 112 : index
      %swap3A_130 = tpu.vector_load %arg10[%swap3A_128, %swap3A_129] {strides = array<i32>} : memref<80x128xf32, #tpu.memory_space<vmem>>, vector<16xf32>,
      tpu.vector_store %arg10[%swap3A_128, %swap3A_129], %mul3A_127 {strides = array<i32>} : memref<80x128xf32, #tpu.memory_space<vmem>>, vector<16xf32>,
      %scan3A_131 = arith.constant 0 : i32
      scf.yield %scan3A_131 : i32
    }
    %scan3A_38 = arith.constant 80 : i32
    %mul3A_39 = arith.constant 1280 : i32
    %mul3A_40 = arith.muli %arg0, %mul3A_39 : i32
    %mul3A_41 = arith.constant 80 : i32
    %mul3A_42 = arith.muli %arg1, %mul3A_41 : i32
    %add3A_43 = arith.addi %mul3A_40, %mul3A_42 : i32
    "tpu.region"() ({
      %run_scoped3A = tpu.sem_alloc : memref<!tpu.dma_semaphore, #tpu.memory_space<semaphore_mem>>
      %dma_start3A = arith.constant 0 : i32
      %dma_start3A_44 = tpu.memref_slice %arg6[%add3A_43, %dma_start3A] : memref<2560x128xf32, #tpu.memory_space<hbm>> -> memref<80x128xf32, #tpu.memory_space<hbm>>
      %dma_start3A_45 = arith.constant 0 : i32
      %dma_start3A_46 = tpu.memref_slice %arg6[%add3A_43, %dma_start3A_45] : memref<2560x128xf32, #tpu.memory_space<hbm>> -> memref<80x128xf32, #tpu.memory_space<hbm>>
      tpu.enqueue_dma source(%arg10 : memref<80x128xf32, #tpu.memory_space<vmem>>) target(%dma_start3A_46 : memref<80x128xf32, #tpu.memory_space<hbm>>) target_semaphore(%run_scoped3A : memref<!tpu.dma_semaphore, #tpu.memory_space<semaphore_mem>>)
      %dma_wait3A = arith.constant 0 : i32
      %dma_wait3A_47 = tpu.memref_slice %arg6[%add3A_43, %dma_wait3A] : memref<2560x128xf32, #tpu.memory_space<hbm>> -> memref<80x128xf32, #tpu.memory_space<hbm>>
      %dma_wait3A_48 = arith.constant 0 : i32
      %dma_wait3A_49 = tpu.memref_slice %arg6[%add3A_43, %dma_wait3A_48] : memref<2560x128xf32, #tpu.memory_space<hbm>> -> memref<80x128xf32, #tpu.memory_space<hbm>>
      tpu.wait_dma2 semaphore(%run_scoped3A : memref<!tpu.dma_semaphore, #tpu.memory_space<semaphore_mem>>) src(%arg10 : memref<80x128xf32, #tpu.memory_space<vmem>>) dst(%dma_wait3A_49 : memref<80x128xf32, #tpu.memory_space<hbm>>)
      tpu.yield
    }) : () -> ()
    return
  }
}

#map = affine_map<(d0, d1) -> (0, 0)>
module attributes {stable_mosaic.version = 14 : i64} {
  func.func @_message(%arg0: i32, %arg1: i32, %arg2: memref<1280x128xi32, #tpu.memory_space<hbm>>, %arg3: memref<1280x128xi32, #tpu.memory_space<hbm>>, %arg4: memref<1280x128xf32, #tpu.memory_space<hbm>>, %arg5: memref<20000x128xf32, #tpu.memory_space<hbm>>, %arg6: memref<20480x128xf32, #tpu.memory_space<hbm>>, %arg7: memref<80x128xi32, #tpu.memory_space<vmem>>, %arg8: memref<80x128xi32, #tpu.memory_space<vmem>>, %arg9: memref<80x128xf32, #tpu.memory_space<vmem>>, %arg10: memref<128xi32, #tpu.memory_space<vmem>>, %arg11: memref<128x128xf32, #tpu.memory_space<vmem>>, %arg12: memref<10240x128xf32, #tpu.memory_space<vmem_shared>>, %arg13: memref<!tpu.dma_semaphore, #tpu.memory_space<semaphore_mem>>) attributes {dimension_semantics = [#tpu.dimension_semantics<core_parallel>, #tpu.dimension_semantics<subcore_parallel>], iteration_bounds = array<i64: 2, 16>, scalar_prefetch = 0 : i64, scratch_operands = 7 : i64, tpu.core_type = #tpu.core_type<sc_vector_subcore>, window_params = [{transform_indices = #map}, {transform_indices = #map}, {transform_indices = #map}, {transform_indices = #map}, {transform_indices = #map}]} {
    %scan3A = arith.constant 0 : i32
    %scan3A_0 = arith.constant 0 : i32
    %scan3A_1 = arith.constant 128 : i32
    %scan3A_2 = arith.addi %scan3A_0, %scan3A_1 : i32
    %scan3A_3 = arith.constant 1 : i32
    %scan3A_4 = scf.for %scan3A_75 = %scan3A_0 to %scan3A_2 step %scan3A_3 iter_args(%scan3A_76 = %scan3A) -> (i32)  : i32 {
      %broadcast_in_dim3A = arith.constant 0.000000e+00 : f32
      %broadcast_in_dim3A_77 = vector.broadcast %broadcast_in_dim3A : f32 to vector<16xf32>
      %swap3A = arith.index_cast %scan3A_75 : i32 to index
      %swap3A_78 = arith.constant 0 : index
      %swap3A_79 = tpu.vector_load %arg11[%swap3A, %swap3A_78] {strides = array<i32>} : memref<128x128xf32, #tpu.memory_space<vmem>>, vector<16xf32>,
      tpu.vector_store %arg11[%swap3A, %swap3A_78], %broadcast_in_dim3A_77 {strides = array<i32>} : memref<128x128xf32, #tpu.memory_space<vmem>>, vector<16xf32>,
      %broadcast_in_dim3A_80 = arith.constant 0.000000e+00 : f32
      %broadcast_in_dim3A_81 = vector.broadcast %broadcast_in_dim3A_80 : f32 to vector<16xf32>
      %swap3A_82 = arith.index_cast %scan3A_75 : i32 to index
      %swap3A_83 = arith.constant 16 : index
      %swap3A_84 = tpu.vector_load %arg11[%swap3A_82, %swap3A_83] {strides = array<i32>} : memref<128x128xf32, #tpu.memory_space<vmem>>, vector<16xf32>,
      tpu.vector_store %arg11[%swap3A_82, %swap3A_83], %broadcast_in_dim3A_81 {strides = array<i32>} : memref<128x128xf32, #tpu.memory_space<vmem>>, vector<16xf32>,
      %broadcast_in_dim3A_85 = arith.constant 0.000000e+00 : f32
      %broadcast_in_dim3A_86 = vector.broadcast %broadcast_in_dim3A_85 : f32 to vector<16xf32>
      %swap3A_87 = arith.index_cast %scan3A_75 : i32 to index
      %swap3A_88 = arith.constant 32 : index
      %swap3A_89 = tpu.vector_load %arg11[%swap3A_87, %swap3A_88] {strides = array<i32>} : memref<128x128xf32, #tpu.memory_space<vmem>>, vector<16xf32>,
      tpu.vector_store %arg11[%swap3A_87, %swap3A_88], %broadcast_in_dim3A_86 {strides = array<i32>} : memref<128x128xf32, #tpu.memory_space<vmem>>, vector<16xf32>,
      %broadcast_in_dim3A_90 = arith.constant 0.000000e+00 : f32
      %broadcast_in_dim3A_91 = vector.broadcast %broadcast_in_dim3A_90 : f32 to vector<16xf32>
      %swap3A_92 = arith.index_cast %scan3A_75 : i32 to index
      %swap3A_93 = arith.constant 48 : index
      %swap3A_94 = tpu.vector_load %arg11[%swap3A_92, %swap3A_93] {strides = array<i32>} : memref<128x128xf32, #tpu.memory_space<vmem>>, vector<16xf32>,
      tpu.vector_store %arg11[%swap3A_92, %swap3A_93], %broadcast_in_dim3A_91 {strides = array<i32>} : memref<128x128xf32, #tpu.memory_space<vmem>>, vector<16xf32>,
      %broadcast_in_dim3A_95 = arith.constant 0.000000e+00 : f32
      %broadcast_in_dim3A_96 = vector.broadcast %broadcast_in_dim3A_95 : f32 to vector<16xf32>
      %swap3A_97 = arith.index_cast %scan3A_75 : i32 to index
      %swap3A_98 = arith.constant 64 : index
      %swap3A_99 = tpu.vector_load %arg11[%swap3A_97, %swap3A_98] {strides = array<i32>} : memref<128x128xf32, #tpu.memory_space<vmem>>, vector<16xf32>,
      tpu.vector_store %arg11[%swap3A_97, %swap3A_98], %broadcast_in_dim3A_96 {strides = array<i32>} : memref<128x128xf32, #tpu.memory_space<vmem>>, vector<16xf32>,
      %broadcast_in_dim3A_100 = arith.constant 0.000000e+00 : f32
      %broadcast_in_dim3A_101 = vector.broadcast %broadcast_in_dim3A_100 : f32 to vector<16xf32>
      %swap3A_102 = arith.index_cast %scan3A_75 : i32 to index
      %swap3A_103 = arith.constant 80 : index
      %swap3A_104 = tpu.vector_load %arg11[%swap3A_102, %swap3A_103] {strides = array<i32>} : memref<128x128xf32, #tpu.memory_space<vmem>>, vector<16xf32>,
      tpu.vector_store %arg11[%swap3A_102, %swap3A_103], %broadcast_in_dim3A_101 {strides = array<i32>} : memref<128x128xf32, #tpu.memory_space<vmem>>, vector<16xf32>,
      %broadcast_in_dim3A_105 = arith.constant 0.000000e+00 : f32
      %broadcast_in_dim3A_106 = vector.broadcast %broadcast_in_dim3A_105 : f32 to vector<16xf32>
      %swap3A_107 = arith.index_cast %scan3A_75 : i32 to index
      %swap3A_108 = arith.constant 96 : index
      %swap3A_109 = tpu.vector_load %arg11[%swap3A_107, %swap3A_108] {strides = array<i32>} : memref<128x128xf32, #tpu.memory_space<vmem>>, vector<16xf32>,
      tpu.vector_store %arg11[%swap3A_107, %swap3A_108], %broadcast_in_dim3A_106 {strides = array<i32>} : memref<128x128xf32, #tpu.memory_space<vmem>>, vector<16xf32>,
      %broadcast_in_dim3A_110 = arith.constant 0.000000e+00 : f32
      %broadcast_in_dim3A_111 = vector.broadcast %broadcast_in_dim3A_110 : f32 to vector<16xf32>
      %swap3A_112 = arith.index_cast %scan3A_75 : i32 to index
      %swap3A_113 = arith.constant 112 : index
      %swap3A_114 = tpu.vector_load %arg11[%swap3A_112, %swap3A_113] {strides = array<i32>} : memref<128x128xf32, #tpu.memory_space<vmem>>, vector<16xf32>,
      tpu.vector_store %arg11[%swap3A_112, %swap3A_113], %broadcast_in_dim3A_111 {strides = array<i32>} : memref<128x128xf32, #tpu.memory_space<vmem>>, vector<16xf32>,
      %scan3A_115 = arith.constant 0 : i32
      scf.yield %scan3A_115 : i32
    }
    %scan3A_5 = arith.constant 128 : i32
    %mul3A = arith.constant 640 : i32
    %mul3A_6 = arith.muli %arg1, %mul3A : i32
    %add3A = arith.constant 0 : i32
    %add3A_7 = arith.addi %mul3A_6, %add3A : i32
    "tpu.region"() ({
      %run_scoped3A = tpu.sem_alloc : memref<!tpu.dma_semaphore, #tpu.memory_space<semaphore_mem>>
      %dma_start3A = arith.constant 0 : i32
      %dma_start3A_75 = tpu.memref_slice %arg12[%add3A_7, %dma_start3A] : memref<10240x128xf32, #tpu.memory_space<vmem_shared>> -> memref<128x128xf32, #tpu.memory_space<vmem_shared>>
      %dma_start3A_76 = arith.constant 0 : i32
      %dma_start3A_77 = tpu.memref_slice %arg12[%add3A_7, %dma_start3A_76] : memref<10240x128xf32, #tpu.memory_space<vmem_shared>> -> memref<128x128xf32, #tpu.memory_space<vmem_shared>>
      tpu.enqueue_dma source(%arg11 : memref<128x128xf32, #tpu.memory_space<vmem>>) target(%dma_start3A_77 : memref<128x128xf32, #tpu.memory_space<vmem_shared>>) target_semaphore(%run_scoped3A : memref<!tpu.dma_semaphore, #tpu.memory_space<semaphore_mem>>)
      %dma_wait3A = arith.constant 0 : i32
      %dma_wait3A_78 = tpu.memref_slice %arg12[%add3A_7, %dma_wait3A] : memref<10240x128xf32, #tpu.memory_space<vmem_shared>> -> memref<128x128xf32, #tpu.memory_space<vmem_shared>>
      %dma_wait3A_79 = arith.constant 0 : i32
      %dma_wait3A_80 = tpu.memref_slice %arg12[%add3A_7, %dma_wait3A_79] : memref<10240x128xf32, #tpu.memory_space<vmem_shared>> -> memref<128x128xf32, #tpu.memory_space<vmem_shared>>
      tpu.wait_dma2 semaphore(%run_scoped3A : memref<!tpu.dma_semaphore, #tpu.memory_space<semaphore_mem>>) src(%arg11 : memref<128x128xf32, #tpu.memory_space<vmem>>) dst(%dma_wait3A_80 : memref<128x128xf32, #tpu.memory_space<vmem_shared>>)
      tpu.yield
    }) : () -> ()
    %mul3A_8 = arith.constant 640 : i32
    %mul3A_9 = arith.muli %arg1, %mul3A_8 : i32
    %add3A_10 = arith.constant 128 : i32
    %add3A_11 = arith.addi %mul3A_9, %add3A_10 : i32
    "tpu.region"() ({
      %run_scoped3A = tpu.sem_alloc : memref<!tpu.dma_semaphore, #tpu.memory_space<semaphore_mem>>
      %dma_start3A = arith.constant 0 : i32
      %dma_start3A_75 = tpu.memref_slice %arg12[%add3A_11, %dma_start3A] : memref<10240x128xf32, #tpu.memory_space<vmem_shared>> -> memref<128x128xf32, #tpu.memory_space<vmem_shared>>
      %dma_start3A_76 = arith.constant 0 : i32
      %dma_start3A_77 = tpu.memref_slice %arg12[%add3A_11, %dma_start3A_76] : memref<10240x128xf32, #tpu.memory_space<vmem_shared>> -> memref<128x128xf32, #tpu.memory_space<vmem_shared>>
      tpu.enqueue_dma source(%arg11 : memref<128x128xf32, #tpu.memory_space<vmem>>) target(%dma_start3A_77 : memref<128x128xf32, #tpu.memory_space<vmem_shared>>) target_semaphore(%run_scoped3A : memref<!tpu.dma_semaphore, #tpu.memory_space<semaphore_mem>>)
      %dma_wait3A = arith.constant 0 : i32
      %dma_wait3A_78 = tpu.memref_slice %arg12[%add3A_11, %dma_wait3A] : memref<10240x128xf32, #tpu.memory_space<vmem_shared>> -> memref<128x128xf32, #tpu.memory_space<vmem_shared>>
      %dma_wait3A_79 = arith.constant 0 : i32
      %dma_wait3A_80 = tpu.memref_slice %arg12[%add3A_11, %dma_wait3A_79] : memref<10240x128xf32, #tpu.memory_space<vmem_shared>> -> memref<128x128xf32, #tpu.memory_space<vmem_shared>>
      tpu.wait_dma2 semaphore(%run_scoped3A : memref<!tpu.dma_semaphore, #tpu.memory_space<semaphore_mem>>) src(%arg11 : memref<128x128xf32, #tpu.memory_space<vmem>>) dst(%dma_wait3A_80 : memref<128x128xf32, #tpu.memory_space<vmem_shared>>)
      tpu.yield
    }) : () -> ()
    %mul3A_12 = arith.constant 640 : i32
    %mul3A_13 = arith.muli %arg1, %mul3A_12 : i32
    %add3A_14 = arith.constant 256 : i32
    %add3A_15 = arith.addi %mul3A_13, %add3A_14 : i32
    "tpu.region"() ({
      %run_scoped3A = tpu.sem_alloc : memref<!tpu.dma_semaphore, #tpu.memory_space<semaphore_mem>>
      %dma_start3A = arith.constant 0 : i32
      %dma_start3A_75 = tpu.memref_slice %arg12[%add3A_15, %dma_start3A] : memref<10240x128xf32, #tpu.memory_space<vmem_shared>> -> memref<128x128xf32, #tpu.memory_space<vmem_shared>>
      %dma_start3A_76 = arith.constant 0 : i32
      %dma_start3A_77 = tpu.memref_slice %arg12[%add3A_15, %dma_start3A_76] : memref<10240x128xf32, #tpu.memory_space<vmem_shared>> -> memref<128x128xf32, #tpu.memory_space<vmem_shared>>
      tpu.enqueue_dma source(%arg11 : memref<128x128xf32, #tpu.memory_space<vmem>>) target(%dma_start3A_77 : memref<128x128xf32, #tpu.memory_space<vmem_shared>>) target_semaphore(%run_scoped3A : memref<!tpu.dma_semaphore, #tpu.memory_space<semaphore_mem>>)
      %dma_wait3A = arith.constant 0 : i32
      %dma_wait3A_78 = tpu.memref_slice %arg12[%add3A_15, %dma_wait3A] : memref<10240x128xf32, #tpu.memory_space<vmem_shared>> -> memref<128x128xf32, #tpu.memory_space<vmem_shared>>
      %dma_wait3A_79 = arith.constant 0 : i32
      %dma_wait3A_80 = tpu.memref_slice %arg12[%add3A_15, %dma_wait3A_79] : memref<10240x128xf32, #tpu.memory_space<vmem_shared>> -> memref<128x128xf32, #tpu.memory_space<vmem_shared>>
      tpu.wait_dma2 semaphore(%run_scoped3A : memref<!tpu.dma_semaphore, #tpu.memory_space<semaphore_mem>>) src(%arg11 : memref<128x128xf32, #tpu.memory_space<vmem>>) dst(%dma_wait3A_80 : memref<128x128xf32, #tpu.memory_space<vmem_shared>>)
      tpu.yield
    }) : () -> ()
    %mul3A_16 = arith.constant 640 : i32
    %mul3A_17 = arith.muli %arg1, %mul3A_16 : i32
    %add3A_18 = arith.constant 384 : i32
    %add3A_19 = arith.addi %mul3A_17, %add3A_18 : i32
    "tpu.region"() ({
      %run_scoped3A = tpu.sem_alloc : memref<!tpu.dma_semaphore, #tpu.memory_space<semaphore_mem>>
      %dma_start3A = arith.constant 0 : i32
      %dma_start3A_75 = tpu.memref_slice %arg12[%add3A_19, %dma_start3A] : memref<10240x128xf32, #tpu.memory_space<vmem_shared>> -> memref<128x128xf32, #tpu.memory_space<vmem_shared>>
      %dma_start3A_76 = arith.constant 0 : i32
      %dma_start3A_77 = tpu.memref_slice %arg12[%add3A_19, %dma_start3A_76] : memref<10240x128xf32, #tpu.memory_space<vmem_shared>> -> memref<128x128xf32, #tpu.memory_space<vmem_shared>>
      tpu.enqueue_dma source(%arg11 : memref<128x128xf32, #tpu.memory_space<vmem>>) target(%dma_start3A_77 : memref<128x128xf32, #tpu.memory_space<vmem_shared>>) target_semaphore(%run_scoped3A : memref<!tpu.dma_semaphore, #tpu.memory_space<semaphore_mem>>)
      %dma_wait3A = arith.constant 0 : i32
      %dma_wait3A_78 = tpu.memref_slice %arg12[%add3A_19, %dma_wait3A] : memref<10240x128xf32, #tpu.memory_space<vmem_shared>> -> memref<128x128xf32, #tpu.memory_space<vmem_shared>>
      %dma_wait3A_79 = arith.constant 0 : i32
      %dma_wait3A_80 = tpu.memref_slice %arg12[%add3A_19, %dma_wait3A_79] : memref<10240x128xf32, #tpu.memory_space<vmem_shared>> -> memref<128x128xf32, #tpu.memory_space<vmem_shared>>
      tpu.wait_dma2 semaphore(%run_scoped3A : memref<!tpu.dma_semaphore, #tpu.memory_space<semaphore_mem>>) src(%arg11 : memref<128x128xf32, #tpu.memory_space<vmem>>) dst(%dma_wait3A_80 : memref<128x128xf32, #tpu.memory_space<vmem_shared>>)
      tpu.yield
    }) : () -> ()
    %mul3A_20 = arith.constant 640 : i32
    %mul3A_21 = arith.muli %arg1, %mul3A_20 : i32
    %add3A_22 = arith.constant 512 : i32
    %add3A_23 = arith.addi %mul3A_21, %add3A_22 : i32
    "tpu.region"() ({
      %run_scoped3A = tpu.sem_alloc : memref<!tpu.dma_semaphore, #tpu.memory_space<semaphore_mem>>
      %dma_start3A = arith.constant 0 : i32
      %dma_start3A_75 = tpu.memref_slice %arg12[%add3A_23, %dma_start3A] : memref<10240x128xf32, #tpu.memory_space<vmem_shared>> -> memref<128x128xf32, #tpu.memory_space<vmem_shared>>
      %dma_start3A_76 = arith.constant 0 : i32
      %dma_start3A_77 = tpu.memref_slice %arg12[%add3A_23, %dma_start3A_76] : memref<10240x128xf32, #tpu.memory_space<vmem_shared>> -> memref<128x128xf32, #tpu.memory_space<vmem_shared>>
      tpu.enqueue_dma source(%arg11 : memref<128x128xf32, #tpu.memory_space<vmem>>) target(%dma_start3A_77 : memref<128x128xf32, #tpu.memory_space<vmem_shared>>) target_semaphore(%run_scoped3A : memref<!tpu.dma_semaphore, #tpu.memory_space<semaphore_mem>>)
      %dma_wait3A = arith.constant 0 : i32
      %dma_wait3A_78 = tpu.memref_slice %arg12[%add3A_23, %dma_wait3A] : memref<10240x128xf32, #tpu.memory_space<vmem_shared>> -> memref<128x128xf32, #tpu.memory_space<vmem_shared>>
      %dma_wait3A_79 = arith.constant 0 : i32
      %dma_wait3A_80 = tpu.memref_slice %arg12[%add3A_23, %dma_wait3A_79] : memref<10240x128xf32, #tpu.memory_space<vmem_shared>> -> memref<128x128xf32, #tpu.memory_space<vmem_shared>>
      tpu.wait_dma2 semaphore(%run_scoped3A : memref<!tpu.dma_semaphore, #tpu.memory_space<semaphore_mem>>) src(%arg11 : memref<128x128xf32, #tpu.memory_space<vmem>>) dst(%dma_wait3A_80 : memref<128x128xf32, #tpu.memory_space<vmem_shared>>)
      tpu.yield
    }) : () -> ()
    %barrier3A = arith.constant 0 : index
    tpu.barrier barrier_id(%barrier3A)
    %mul3A_24 = arith.constant 80 : i32
    %mul3A_25 = arith.muli %arg1, %mul3A_24 : i32
    "tpu.region"() ({
      %run_scoped3A = tpu.sem_alloc : memref<!tpu.dma_semaphore, #tpu.memory_space<semaphore_mem>>
      %dma_start3A = arith.constant 0 : i32
      %dma_start3A_75 = tpu.memref_slice %arg2[%mul3A_25, %dma_start3A] : memref<1280x128xi32, #tpu.memory_space<hbm>> -> memref<80x128xi32, #tpu.memory_space<hbm>>
      %dma_start3A_76 = arith.constant 0 : i32
      %dma_start3A_77 = tpu.memref_slice %arg2[%mul3A_25, %dma_start3A_76] : memref<1280x128xi32, #tpu.memory_space<hbm>> -> memref<80x128xi32, #tpu.memory_space<hbm>>
      tpu.enqueue_dma source(%dma_start3A_77 : memref<80x128xi32, #tpu.memory_space<hbm>>) target(%arg7 : memref<80x128xi32, #tpu.memory_space<vmem>>) target_semaphore(%run_scoped3A : memref<!tpu.dma_semaphore, #tpu.memory_space<semaphore_mem>>)
      %dma_wait3A = arith.constant 0 : i32
      %dma_wait3A_78 = tpu.memref_slice %arg2[%mul3A_25, %dma_wait3A] : memref<1280x128xi32, #tpu.memory_space<hbm>> -> memref<80x128xi32, #tpu.memory_space<hbm>>
      %dma_wait3A_79 = arith.constant 0 : i32
      %dma_wait3A_80 = tpu.memref_slice %arg2[%mul3A_25, %dma_wait3A_79] : memref<1280x128xi32, #tpu.memory_space<hbm>> -> memref<80x128xi32, #tpu.memory_space<hbm>>
      tpu.wait_dma2 semaphore(%run_scoped3A : memref<!tpu.dma_semaphore, #tpu.memory_space<semaphore_mem>>) src(%dma_wait3A_80 : memref<80x128xi32, #tpu.memory_space<hbm>>) dst(%arg7 : memref<80x128xi32, #tpu.memory_space<vmem>>)
      tpu.yield
    }) : () -> ()
    %mul3A_26 = arith.constant 80 : i32
    %mul3A_27 = arith.muli %arg1, %mul3A_26 : i32
    "tpu.region"() ({
      %run_scoped3A = tpu.sem_alloc : memref<!tpu.dma_semaphore, #tpu.memory_space<semaphore_mem>>
      %dma_start3A = arith.constant 0 : i32
      %dma_start3A_75 = tpu.memref_slice %arg3[%mul3A_27, %dma_start3A] : memref<1280x128xi32, #tpu.memory_space<hbm>> -> memref<80x128xi32, #tpu.memory_space<hbm>>
      %dma_start3A_76 = arith.constant 0 : i32
      %dma_start3A_77 = tpu.memref_slice %arg3[%mul3A_27, %dma_start3A_76] : memref<1280x128xi32, #tpu.memory_space<hbm>> -> memref<80x128xi32, #tpu.memory_space<hbm>>
      tpu.enqueue_dma source(%dma_start3A_77 : memref<80x128xi32, #tpu.memory_space<hbm>>) target(%arg8 : memref<80x128xi32, #tpu.memory_space<vmem>>) target_semaphore(%run_scoped3A : memref<!tpu.dma_semaphore, #tpu.memory_space<semaphore_mem>>)
      %dma_wait3A = arith.constant 0 : i32
      %dma_wait3A_78 = tpu.memref_slice %arg3[%mul3A_27, %dma_wait3A] : memref<1280x128xi32, #tpu.memory_space<hbm>> -> memref<80x128xi32, #tpu.memory_space<hbm>>
      %dma_wait3A_79 = arith.constant 0 : i32
      %dma_wait3A_80 = tpu.memref_slice %arg3[%mul3A_27, %dma_wait3A_79] : memref<1280x128xi32, #tpu.memory_space<hbm>> -> memref<80x128xi32, #tpu.memory_space<hbm>>
      tpu.wait_dma2 semaphore(%run_scoped3A : memref<!tpu.dma_semaphore, #tpu.memory_space<semaphore_mem>>) src(%dma_wait3A_80 : memref<80x128xi32, #tpu.memory_space<hbm>>) dst(%arg8 : memref<80x128xi32, #tpu.memory_space<vmem>>)
      tpu.yield
    }) : () -> ()
    %mul3A_28 = arith.constant 80 : i32
    %mul3A_29 = arith.muli %arg1, %mul3A_28 : i32
    "tpu.region"() ({
      %run_scoped3A = tpu.sem_alloc : memref<!tpu.dma_semaphore, #tpu.memory_space<semaphore_mem>>
      %dma_start3A = arith.constant 0 : i32
      %dma_start3A_75 = tpu.memref_slice %arg4[%mul3A_29, %dma_start3A] : memref<1280x128xf32, #tpu.memory_space<hbm>> -> memref<80x128xf32, #tpu.memory_space<hbm>>
      %dma_start3A_76 = arith.constant 0 : i32
      %dma_start3A_77 = tpu.memref_slice %arg4[%mul3A_29, %dma_start3A_76] : memref<1280x128xf32, #tpu.memory_space<hbm>> -> memref<80x128xf32, #tpu.memory_space<hbm>>
      tpu.enqueue_dma source(%dma_start3A_77 : memref<80x128xf32, #tpu.memory_space<hbm>>) target(%arg9 : memref<80x128xf32, #tpu.memory_space<vmem>>) target_semaphore(%run_scoped3A : memref<!tpu.dma_semaphore, #tpu.memory_space<semaphore_mem>>)
      %dma_wait3A = arith.constant 0 : i32
      %dma_wait3A_78 = tpu.memref_slice %arg4[%mul3A_29, %dma_wait3A] : memref<1280x128xf32, #tpu.memory_space<hbm>> -> memref<80x128xf32, #tpu.memory_space<hbm>>
      %dma_wait3A_79 = arith.constant 0 : i32
      %dma_wait3A_80 = tpu.memref_slice %arg4[%mul3A_29, %dma_wait3A_79] : memref<1280x128xf32, #tpu.memory_space<hbm>> -> memref<80x128xf32, #tpu.memory_space<hbm>>
      tpu.wait_dma2 semaphore(%run_scoped3A : memref<!tpu.dma_semaphore, #tpu.memory_space<semaphore_mem>>) src(%dma_wait3A_80 : memref<80x128xf32, #tpu.memory_space<hbm>>) dst(%arg9 : memref<80x128xf32, #tpu.memory_space<vmem>>)
      tpu.yield
    }) : () -> ()
    %mul3A_30 = arith.constant 10000 : i32
    %mul3A_31 = arith.muli %arg0, %mul3A_30 : i32
    %scan3A_32 = arith.constant 0 : i32
    %scan3A_33 = arith.constant 0 : i32
    %scan3A_34 = arith.constant 80 : i32
    %scan3A_35 = arith.addi %scan3A_33, %scan3A_34 : i32
    %scan3A_36 = arith.constant 1 : i32
    %scan3A_37 = scf.for %scan3A_75 = %scan3A_33 to %scan3A_35 step %scan3A_36 iter_args(%scan3A_76 = %scan3A_32) -> (i32)  : i32 {
      %get3A = arith.index_cast %scan3A_75 : i32 to index
      %get3A_77 = arith.constant 0 : index
      %get3A_78 = tpu.vector_load %arg7[%get3A, %get3A_77] {strides = array<i32>} : memref<80x128xi32, #tpu.memory_space<vmem>>, vector<16xi32>,
      %add3A_79 = vector.broadcast %mul3A_31 : i32 to vector<16xi32>
      %add3A_80 = arith.addi %get3A_78, %add3A_79 : vector<16xi32>
      %swap3A = arith.constant 0 : index
      %swap3A_81 = tpu.vector_load %arg10[%swap3A] {strides = array<i32>} : memref<128xi32, #tpu.memory_space<vmem>>, vector<16xi32>,
      tpu.vector_store %arg10[%swap3A], %add3A_80 {strides = array<i32>} : memref<128xi32, #tpu.memory_space<vmem>>, vector<16xi32>,
      %get3A_82 = arith.index_cast %scan3A_75 : i32 to index
      %get3A_83 = arith.constant 16 : index
      %get3A_84 = tpu.vector_load %arg7[%get3A_82, %get3A_83] {strides = array<i32>} : memref<80x128xi32, #tpu.memory_space<vmem>>, vector<16xi32>,
      %add3A_85 = vector.broadcast %mul3A_31 : i32 to vector<16xi32>
      %add3A_86 = arith.addi %get3A_84, %add3A_85 : vector<16xi32>
      %swap3A_87 = arith.constant 16 : index
      %swap3A_88 = tpu.vector_load %arg10[%swap3A_87] {strides = array<i32>} : memref<128xi32, #tpu.memory_space<vmem>>, vector<16xi32>,
      tpu.vector_store %arg10[%swap3A_87], %add3A_86 {strides = array<i32>} : memref<128xi32, #tpu.memory_space<vmem>>, vector<16xi32>,
      %get3A_89 = arith.index_cast %scan3A_75 : i32 to index
      %get3A_90 = arith.constant 32 : index
      %get3A_91 = tpu.vector_load %arg7[%get3A_89, %get3A_90] {strides = array<i32>} : memref<80x128xi32, #tpu.memory_space<vmem>>, vector<16xi32>,
      %add3A_92 = vector.broadcast %mul3A_31 : i32 to vector<16xi32>
      %add3A_93 = arith.addi %get3A_91, %add3A_92 : vector<16xi32>
      %swap3A_94 = arith.constant 32 : index
      %swap3A_95 = tpu.vector_load %arg10[%swap3A_94] {strides = array<i32>} : memref<128xi32, #tpu.memory_space<vmem>>, vector<16xi32>,
      tpu.vector_store %arg10[%swap3A_94], %add3A_93 {strides = array<i32>} : memref<128xi32, #tpu.memory_space<vmem>>, vector<16xi32>,
      %get3A_96 = arith.index_cast %scan3A_75 : i32 to index
      %get3A_97 = arith.constant 48 : index
      %get3A_98 = tpu.vector_load %arg7[%get3A_96, %get3A_97] {strides = array<i32>} : memref<80x128xi32, #tpu.memory_space<vmem>>, vector<16xi32>,
      %add3A_99 = vector.broadcast %mul3A_31 : i32 to vector<16xi32>
      %add3A_100 = arith.addi %get3A_98, %add3A_99 : vector<16xi32>
      %swap3A_101 = arith.constant 48 : index
      %swap3A_102 = tpu.vector_load %arg10[%swap3A_101] {strides = array<i32>} : memref<128xi32, #tpu.memory_space<vmem>>, vector<16xi32>,
      tpu.vector_store %arg10[%swap3A_101], %add3A_100 {strides = array<i32>} : memref<128xi32, #tpu.memory_space<vmem>>, vector<16xi32>,
      %get3A_103 = arith.index_cast %scan3A_75 : i32 to index
      %get3A_104 = arith.constant 64 : index
      %get3A_105 = tpu.vector_load %arg7[%get3A_103, %get3A_104] {strides = array<i32>} : memref<80x128xi32, #tpu.memory_space<vmem>>, vector<16xi32>,
      %add3A_106 = vector.broadcast %mul3A_31 : i32 to vector<16xi32>
      %add3A_107 = arith.addi %get3A_105, %add3A_106 : vector<16xi32>
      %swap3A_108 = arith.constant 64 : index
      %swap3A_109 = tpu.vector_load %arg10[%swap3A_108] {strides = array<i32>} : memref<128xi32, #tpu.memory_space<vmem>>, vector<16xi32>,
      tpu.vector_store %arg10[%swap3A_108], %add3A_107 {strides = array<i32>} : memref<128xi32, #tpu.memory_space<vmem>>, vector<16xi32>,
      %get3A_110 = arith.index_cast %scan3A_75 : i32 to index
      %get3A_111 = arith.constant 80 : index
      %get3A_112 = tpu.vector_load %arg7[%get3A_110, %get3A_111] {strides = array<i32>} : memref<80x128xi32, #tpu.memory_space<vmem>>, vector<16xi32>,
      %add3A_113 = vector.broadcast %mul3A_31 : i32 to vector<16xi32>
      %add3A_114 = arith.addi %get3A_112, %add3A_113 : vector<16xi32>
      %swap3A_115 = arith.constant 80 : index
      %swap3A_116 = tpu.vector_load %arg10[%swap3A_115] {strides = array<i32>} : memref<128xi32, #tpu.memory_space<vmem>>, vector<16xi32>,
      tpu.vector_store %arg10[%swap3A_115], %add3A_114 {strides = array<i32>} : memref<128xi32, #tpu.memory_space<vmem>>, vector<16xi32>,
      %get3A_117 = arith.index_cast %scan3A_75 : i32 to index
      %get3A_118 = arith.constant 96 : index
      %get3A_119 = tpu.vector_load %arg7[%get3A_117, %get3A_118] {strides = array<i32>} : memref<80x128xi32, #tpu.memory_space<vmem>>, vector<16xi32>,
      %add3A_120 = vector.broadcast %mul3A_31 : i32 to vector<16xi32>
      %add3A_121 = arith.addi %get3A_119, %add3A_120 : vector<16xi32>
      %swap3A_122 = arith.constant 96 : index
      %swap3A_123 = tpu.vector_load %arg10[%swap3A_122] {strides = array<i32>} : memref<128xi32, #tpu.memory_space<vmem>>, vector<16xi32>,
      tpu.vector_store %arg10[%swap3A_122], %add3A_121 {strides = array<i32>} : memref<128xi32, #tpu.memory_space<vmem>>, vector<16xi32>,
      %get3A_124 = arith.index_cast %scan3A_75 : i32 to index
      %get3A_125 = arith.constant 112 : index
      %get3A_126 = tpu.vector_load %arg7[%get3A_124, %get3A_125] {strides = array<i32>} : memref<80x128xi32, #tpu.memory_space<vmem>>, vector<16xi32>,
      %add3A_127 = vector.broadcast %mul3A_31 : i32 to vector<16xi32>
      %add3A_128 = arith.addi %get3A_126, %add3A_127 : vector<16xi32>
      %swap3A_129 = arith.constant 112 : index
      %swap3A_130 = tpu.vector_load %arg10[%swap3A_129] {strides = array<i32>} : memref<128xi32, #tpu.memory_space<vmem>>, vector<16xi32>,
      tpu.vector_store %arg10[%swap3A_129], %add3A_128 {strides = array<i32>} : memref<128xi32, #tpu.memory_space<vmem>>, vector<16xi32>,
      %dma_start3A = arith.constant 0 : i32
      %dma_start3A_131 = arith.constant 0 : i32
      %dma_start3A_132 = tpu.memref_slice %arg5[%dma_start3A, %dma_start3A_131] : memref<20000x128xf32, #tpu.memory_space<hbm>> -> memref<20000x128xf32, #tpu.memory_space<hbm>>
      tpu.enqueue_indirect_dma source(%dma_start3A_132 : memref<20000x128xf32, #tpu.memory_space<hbm>>) target(%arg11 : memref<128x128xf32, #tpu.memory_space<vmem>>) offsets(%arg10 : memref<128xi32, #tpu.memory_space<vmem>>) semaphore(%arg13 : memref<!tpu.dma_semaphore, #tpu.memory_space<semaphore_mem>>)
      %dma_wait3A = arith.constant 0 : i32
      %dma_wait3A_133 = arith.constant 0 : i32
      %dma_wait3A_134 = tpu.memref_slice %arg5[%dma_wait3A, %dma_wait3A_133] : memref<20000x128xf32, #tpu.memory_space<hbm>> -> memref<20000x128xf32, #tpu.memory_space<hbm>>
      tpu.wait_indirect_dma semaphore(%arg13 : memref<!tpu.dma_semaphore, #tpu.memory_space<semaphore_mem>>) src(%dma_wait3A_134 : memref<20000x128xf32, #tpu.memory_space<hbm>>) dst(%arg11 : memref<128x128xf32, #tpu.memory_space<vmem>>)
      %scan3A_135 = arith.constant 0 : i32
      %scan3A_136 = arith.constant 0 : i32
      %scan3A_137 = arith.constant 128 : i32
      %scan3A_138 = arith.addi %scan3A_136, %scan3A_137 : i32
      %scan3A_139 = arith.constant 2 : i32
      %scan3A_140 = scf.for %scan3A_143 = %scan3A_136 to %scan3A_138 step %scan3A_139 iter_args(%scan3A_144 = %scan3A_135) -> (i32)  : i32 {
        %broadcast_in_dim3A = vector.broadcast %scan3A_75 : i32 to vector<16xi32>
        %broadcast_in_dim3A_145 = vector.broadcast %scan3A_143 : i32 to vector<16xi32>
        %gather3A = tpu.vector_load_idx %arg9[%broadcast_in_dim3A, %broadcast_in_dim3A_145] : memref<80x128xf32, #tpu.memory_space<vmem>>[vector<16xi32>, vector<16xi32>], vector<16xf32>,
        %get3A_146 = arith.index_cast %scan3A_143 : i32 to index
        %get3A_147 = arith.constant 0 : index
        %get3A_148 = tpu.vector_load %arg11[%get3A_146, %get3A_147] {strides = array<i32>} : memref<128x128xf32, #tpu.memory_space<vmem>>, vector<16xf32>,
        %mul3A_149 = arith.mulf %get3A_148, %gather3A : vector<16xf32>
        %swap3A_150 = arith.index_cast %scan3A_143 : i32 to index
        %swap3A_151 = arith.constant 0 : index
        %swap3A_152 = tpu.vector_load %arg11[%swap3A_150, %swap3A_151] {strides = array<i32>} : memref<128x128xf32, #tpu.memory_space<vmem>>, vector<16xf32>,
        tpu.vector_store %arg11[%swap3A_150, %swap3A_151], %mul3A_149 {strides = array<i32>} : memref<128x128xf32, #tpu.memory_space<vmem>>, vector<16xf32>,
        %get3A_153 = arith.index_cast %scan3A_143 : i32 to index
        %get3A_154 = arith.constant 16 : index
        %get3A_155 = tpu.vector_load %arg11[%get3A_153, %get3A_154] {strides = array<i32>} : memref<128x128xf32, #tpu.memory_space<vmem>>, vector<16xf32>,
        %mul3A_156 = arith.mulf %get3A_155, %gather3A : vector<16xf32>
        %swap3A_157 = arith.index_cast %scan3A_143 : i32 to index
        %swap3A_158 = arith.constant 16 : index
        %swap3A_159 = tpu.vector_load %arg11[%swap3A_157, %swap3A_158] {strides = array<i32>} : memref<128x128xf32, #tpu.memory_space<vmem>>, vector<16xf32>,
        tpu.vector_store %arg11[%swap3A_157, %swap3A_158], %mul3A_156 {strides = array<i32>} : memref<128x128xf32, #tpu.memory_space<vmem>>, vector<16xf32>,
        %get3A_160 = arith.index_cast %scan3A_143 : i32 to index
        %get3A_161 = arith.constant 32 : index
        %get3A_162 = tpu.vector_load %arg11[%get3A_160, %get3A_161] {strides = array<i32>} : memref<128x128xf32, #tpu.memory_space<vmem>>, vector<16xf32>,
        %mul3A_163 = arith.mulf %get3A_162, %gather3A : vector<16xf32>
        %swap3A_164 = arith.index_cast %scan3A_143 : i32 to index
        %swap3A_165 = arith.constant 32 : index
        %swap3A_166 = tpu.vector_load %arg11[%swap3A_164, %swap3A_165] {strides = array<i32>} : memref<128x128xf32, #tpu.memory_space<vmem>>, vector<16xf32>,
        tpu.vector_store %arg11[%swap3A_164, %swap3A_165], %mul3A_163 {strides = array<i32>} : memref<128x128xf32, #tpu.memory_space<vmem>>, vector<16xf32>,
        %get3A_167 = arith.index_cast %scan3A_143 : i32 to index
        %get3A_168 = arith.constant 48 : index
        %get3A_169 = tpu.vector_load %arg11[%get3A_167, %get3A_168] {strides = array<i32>} : memref<128x128xf32, #tpu.memory_space<vmem>>, vector<16xf32>,
        %mul3A_170 = arith.mulf %get3A_169, %gather3A : vector<16xf32>
        %swap3A_171 = arith.index_cast %scan3A_143 : i32 to index
        %swap3A_172 = arith.constant 48 : index
        %swap3A_173 = tpu.vector_load %arg11[%swap3A_171, %swap3A_172] {strides = array<i32>} : memref<128x128xf32, #tpu.memory_space<vmem>>, vector<16xf32>,
        tpu.vector_store %arg11[%swap3A_171, %swap3A_172], %mul3A_170 {strides = array<i32>} : memref<128x128xf32, #tpu.memory_space<vmem>>, vector<16xf32>,
        %get3A_174 = arith.index_cast %scan3A_143 : i32 to index
        %get3A_175 = arith.constant 64 : index
        %get3A_176 = tpu.vector_load %arg11[%get3A_174, %get3A_175] {strides = array<i32>} : memref<128x128xf32, #tpu.memory_space<vmem>>, vector<16xf32>,
        %mul3A_177 = arith.mulf %get3A_176, %gather3A : vector<16xf32>
        %swap3A_178 = arith.index_cast %scan3A_143 : i32 to index
        %swap3A_179 = arith.constant 64 : index
        %swap3A_180 = tpu.vector_load %arg11[%swap3A_178, %swap3A_179] {strides = array<i32>} : memref<128x128xf32, #tpu.memory_space<vmem>>, vector<16xf32>,
        tpu.vector_store %arg11[%swap3A_178, %swap3A_179], %mul3A_177 {strides = array<i32>} : memref<128x128xf32, #tpu.memory_space<vmem>>, vector<16xf32>,
        %get3A_181 = arith.index_cast %scan3A_143 : i32 to index
        %get3A_182 = arith.constant 80 : index
        %get3A_183 = tpu.vector_load %arg11[%get3A_181, %get3A_182] {strides = array<i32>} : memref<128x128xf32, #tpu.memory_space<vmem>>, vector<16xf32>,
        %mul3A_184 = arith.mulf %get3A_183, %gather3A : vector<16xf32>
        %swap3A_185 = arith.index_cast %scan3A_143 : i32 to index
        %swap3A_186 = arith.constant 80 : index
        %swap3A_187 = tpu.vector_load %arg11[%swap3A_185, %swap3A_186] {strides = array<i32>} : memref<128x128xf32, #tpu.memory_space<vmem>>, vector<16xf32>,
        tpu.vector_store %arg11[%swap3A_185, %swap3A_186], %mul3A_184 {strides = array<i32>} : memref<128x128xf32, #tpu.memory_space<vmem>>, vector<16xf32>,
        %get3A_188 = arith.index_cast %scan3A_143 : i32 to index
        %get3A_189 = arith.constant 96 : index
        %get3A_190 = tpu.vector_load %arg11[%get3A_188, %get3A_189] {strides = array<i32>} : memref<128x128xf32, #tpu.memory_space<vmem>>, vector<16xf32>,
        %mul3A_191 = arith.mulf %get3A_190, %gather3A : vector<16xf32>
        %swap3A_192 = arith.index_cast %scan3A_143 : i32 to index
        %swap3A_193 = arith.constant 96 : index
        %swap3A_194 = tpu.vector_load %arg11[%swap3A_192, %swap3A_193] {strides = array<i32>} : memref<128x128xf32, #tpu.memory_space<vmem>>, vector<16xf32>,
        tpu.vector_store %arg11[%swap3A_192, %swap3A_193], %mul3A_191 {strides = array<i32>} : memref<128x128xf32, #tpu.memory_space<vmem>>, vector<16xf32>,
        %get3A_195 = arith.index_cast %scan3A_143 : i32 to index
        %get3A_196 = arith.constant 112 : index
        %get3A_197 = tpu.vector_load %arg11[%get3A_195, %get3A_196] {strides = array<i32>} : memref<128x128xf32, #tpu.memory_space<vmem>>, vector<16xf32>,
        %mul3A_198 = arith.mulf %get3A_197, %gather3A : vector<16xf32>
        %swap3A_199 = arith.index_cast %scan3A_143 : i32 to index
        %swap3A_200 = arith.constant 112 : index
        %swap3A_201 = tpu.vector_load %arg11[%swap3A_199, %swap3A_200] {strides = array<i32>} : memref<128x128xf32, #tpu.memory_space<vmem>>, vector<16xf32>,
        tpu.vector_store %arg11[%swap3A_199, %swap3A_200], %mul3A_198 {strides = array<i32>} : memref<128x128xf32, #tpu.memory_space<vmem>>, vector<16xf32>,
        %scan3A_202 = arith.constant 0 : i32
        %scan3A_203 = arith.constant 1 : i32
        %scan3A_204 = arith.addi %scan3A_143, %scan3A_203 : i32
        %broadcast_in_dim3A_205 = vector.broadcast %scan3A_75 : i32 to vector<16xi32>
        %broadcast_in_dim3A_206 = vector.broadcast %scan3A_204 : i32 to vector<16xi32>
        %gather3A_207 = tpu.vector_load_idx %arg9[%broadcast_in_dim3A_205, %broadcast_in_dim3A_206] : memref<80x128xf32, #tpu.memory_space<vmem>>[vector<16xi32>, vector<16xi32>], vector<16xf32>,
        %get3A_208 = arith.index_cast %scan3A_204 : i32 to index
        %get3A_209 = arith.constant 0 : index
        %get3A_210 = tpu.vector_load %arg11[%get3A_208, %get3A_209] {strides = array<i32>} : memref<128x128xf32, #tpu.memory_space<vmem>>, vector<16xf32>,
        %mul3A_211 = arith.mulf %get3A_210, %gather3A_207 : vector<16xf32>
        %swap3A_212 = arith.index_cast %scan3A_204 : i32 to index
        %swap3A_213 = arith.constant 0 : index
        %swap3A_214 = tpu.vector_load %arg11[%swap3A_212, %swap3A_213] {strides = array<i32>} : memref<128x128xf32, #tpu.memory_space<vmem>>, vector<16xf32>,
        tpu.vector_store %arg11[%swap3A_212, %swap3A_213], %mul3A_211 {strides = array<i32>} : memref<128x128xf32, #tpu.memory_space<vmem>>, vector<16xf32>,
        %get3A_215 = arith.index_cast %scan3A_204 : i32 to index
        %get3A_216 = arith.constant 16 : index
        %get3A_217 = tpu.vector_load %arg11[%get3A_215, %get3A_216] {strides = array<i32>} : memref<128x128xf32, #tpu.memory_space<vmem>>, vector<16xf32>,
        %mul3A_218 = arith.mulf %get3A_217, %gather3A_207 : vector<16xf32>
        %swap3A_219 = arith.index_cast %scan3A_204 : i32 to index
        %swap3A_220 = arith.constant 16 : index
        %swap3A_221 = tpu.vector_load %arg11[%swap3A_219, %swap3A_220] {strides = array<i32>} : memref<128x128xf32, #tpu.memory_space<vmem>>, vector<16xf32>,
        tpu.vector_store %arg11[%swap3A_219, %swap3A_220], %mul3A_218 {strides = array<i32>} : memref<128x128xf32, #tpu.memory_space<vmem>>, vector<16xf32>,
        %get3A_222 = arith.index_cast %scan3A_204 : i32 to index
        %get3A_223 = arith.constant 32 : index
        %get3A_224 = tpu.vector_load %arg11[%get3A_222, %get3A_223] {strides = array<i32>} : memref<128x128xf32, #tpu.memory_space<vmem>>, vector<16xf32>,
        %mul3A_225 = arith.mulf %get3A_224, %gather3A_207 : vector<16xf32>
        %swap3A_226 = arith.index_cast %scan3A_204 : i32 to index
        %swap3A_227 = arith.constant 32 : index
        %swap3A_228 = tpu.vector_load %arg11[%swap3A_226, %swap3A_227] {strides = array<i32>} : memref<128x128xf32, #tpu.memory_space<vmem>>, vector<16xf32>,
        tpu.vector_store %arg11[%swap3A_226, %swap3A_227], %mul3A_225 {strides = array<i32>} : memref<128x128xf32, #tpu.memory_space<vmem>>, vector<16xf32>,
        %get3A_229 = arith.index_cast %scan3A_204 : i32 to index
        %get3A_230 = arith.constant 48 : index
        %get3A_231 = tpu.vector_load %arg11[%get3A_229, %get3A_230] {strides = array<i32>} : memref<128x128xf32, #tpu.memory_space<vmem>>, vector<16xf32>,
        %mul3A_232 = arith.mulf %get3A_231, %gather3A_207 : vector<16xf32>
        %swap3A_233 = arith.index_cast %scan3A_204 : i32 to index
        %swap3A_234 = arith.constant 48 : index
        %swap3A_235 = tpu.vector_load %arg11[%swap3A_233, %swap3A_234] {strides = array<i32>} : memref<128x128xf32, #tpu.memory_space<vmem>>, vector<16xf32>,
        tpu.vector_store %arg11[%swap3A_233, %swap3A_234], %mul3A_232 {strides = array<i32>} : memref<128x128xf32, #tpu.memory_space<vmem>>, vector<16xf32>,
        %get3A_236 = arith.index_cast %scan3A_204 : i32 to index
        %get3A_237 = arith.constant 64 : index
        %get3A_238 = tpu.vector_load %arg11[%get3A_236, %get3A_237] {strides = array<i32>} : memref<128x128xf32, #tpu.memory_space<vmem>>, vector<16xf32>,
        %mul3A_239 = arith.mulf %get3A_238, %gather3A_207 : vector<16xf32>
        %swap3A_240 = arith.index_cast %scan3A_204 : i32 to index
        %swap3A_241 = arith.constant 64 : index
        %swap3A_242 = tpu.vector_load %arg11[%swap3A_240, %swap3A_241] {strides = array<i32>} : memref<128x128xf32, #tpu.memory_space<vmem>>, vector<16xf32>,
        tpu.vector_store %arg11[%swap3A_240, %swap3A_241], %mul3A_239 {strides = array<i32>} : memref<128x128xf32, #tpu.memory_space<vmem>>, vector<16xf32>,
        %get3A_243 = arith.index_cast %scan3A_204 : i32 to index
        %get3A_244 = arith.constant 80 : index
        %get3A_245 = tpu.vector_load %arg11[%get3A_243, %get3A_244] {strides = array<i32>} : memref<128x128xf32, #tpu.memory_space<vmem>>, vector<16xf32>,
        %mul3A_246 = arith.mulf %get3A_245, %gather3A_207 : vector<16xf32>
        %swap3A_247 = arith.index_cast %scan3A_204 : i32 to index
        %swap3A_248 = arith.constant 80 : index
        %swap3A_249 = tpu.vector_load %arg11[%swap3A_247, %swap3A_248] {strides = array<i32>} : memref<128x128xf32, #tpu.memory_space<vmem>>, vector<16xf32>,
        tpu.vector_store %arg11[%swap3A_247, %swap3A_248], %mul3A_246 {strides = array<i32>} : memref<128x128xf32, #tpu.memory_space<vmem>>, vector<16xf32>,
        %get3A_250 = arith.index_cast %scan3A_204 : i32 to index
        %get3A_251 = arith.constant 96 : index
        %get3A_252 = tpu.vector_load %arg11[%get3A_250, %get3A_251] {strides = array<i32>} : memref<128x128xf32, #tpu.memory_space<vmem>>, vector<16xf32>,
        %mul3A_253 = arith.mulf %get3A_252, %gather3A_207 : vector<16xf32>
        %swap3A_254 = arith.index_cast %scan3A_204 : i32 to index
        %swap3A_255 = arith.constant 96 : index
        %swap3A_256 = tpu.vector_load %arg11[%swap3A_254, %swap3A_255] {strides = array<i32>} : memref<128x128xf32, #tpu.memory_space<vmem>>, vector<16xf32>,
        tpu.vector_store %arg11[%swap3A_254, %swap3A_255], %mul3A_253 {strides = array<i32>} : memref<128x128xf32, #tpu.memory_space<vmem>>, vector<16xf32>,
        %get3A_257 = arith.index_cast %scan3A_204 : i32 to index
        %get3A_258 = arith.constant 112 : index
        %get3A_259 = tpu.vector_load %arg11[%get3A_257, %get3A_258] {strides = array<i32>} : memref<128x128xf32, #tpu.memory_space<vmem>>, vector<16xf32>,
        %mul3A_260 = arith.mulf %get3A_259, %gather3A_207 : vector<16xf32>
        %swap3A_261 = arith.index_cast %scan3A_204 : i32 to index
        %swap3A_262 = arith.constant 112 : index
        %swap3A_263 = tpu.vector_load %arg11[%swap3A_261, %swap3A_262] {strides = array<i32>} : memref<128x128xf32, #tpu.memory_space<vmem>>, vector<16xf32>,
        tpu.vector_store %arg11[%swap3A_261, %swap3A_262], %mul3A_260 {strides = array<i32>} : memref<128x128xf32, #tpu.memory_space<vmem>>, vector<16xf32>,
        %scan3A_264 = arith.constant 0 : i32
        scf.yield %scan3A_264 : i32
      }
      %scan3A_141 = arith.constant 128 : i32
      "tpu.region"() ({
        %run_scoped3A = tpu.sem_alloc : memref<!tpu.dma_semaphore, #tpu.memory_space<semaphore_mem>>
        %dma_start3A_143 = arith.constant 0 : i32
        %dma_start3A_144 = tpu.memref_slice %arg8[%scan3A_75, %dma_start3A_143] : memref<80x128xi32, #tpu.memory_space<vmem>> -> memref<1x128xi32, #tpu.memory_space<vmem>>
        %dma_start3A_145 = tpu.memref_squeeze %dma_start3A_144 : memref<1x128xi32, #tpu.memory_space<vmem>> -> memref<128xi32, #tpu.memory_space<vmem>>
        %dma_start3A_146 = arith.constant 0 : i32
        %dma_start3A_147 = arith.constant 0 : i32
        %dma_start3A_148 = tpu.memref_slice %arg12[%dma_start3A_146, %dma_start3A_147] : memref<10240x128xf32, #tpu.memory_space<vmem_shared>> -> memref<10240x128xf32, #tpu.memory_space<vmem_shared>>
        tpu.enqueue_indirect_dma source(%arg11 : memref<128x128xf32, #tpu.memory_space<vmem>>) target(%dma_start3A_148 : memref<10240x128xf32, #tpu.memory_space<vmem_shared>>) offsets(%dma_start3A_145 : memref<128xi32, #tpu.memory_space<vmem>>) semaphore(%run_scoped3A : memref<!tpu.dma_semaphore, #tpu.memory_space<semaphore_mem>>) {add = true}
        %dma_wait3A_149 = arith.constant 0 : i32
        %dma_wait3A_150 = tpu.memref_slice %arg8[%scan3A_75, %dma_wait3A_149] : memref<80x128xi32, #tpu.memory_space<vmem>> -> memref<1x128xi32, #tpu.memory_space<vmem>>
        %dma_wait3A_151 = tpu.memref_squeeze %dma_wait3A_150 : memref<1x128xi32, #tpu.memory_space<vmem>> -> memref<128xi32, #tpu.memory_space<vmem>>
        %dma_wait3A_152 = arith.constant 0 : i32
        %dma_wait3A_153 = arith.constant 0 : i32
        %dma_wait3A_154 = tpu.memref_slice %arg12[%dma_wait3A_152, %dma_wait3A_153] : memref<10240x128xf32, #tpu.memory_space<vmem_shared>> -> memref<10240x128xf32, #tpu.memory_space<vmem_shared>>
        tpu.wait_indirect_dma semaphore(%run_scoped3A : memref<!tpu.dma_semaphore, #tpu.memory_space<semaphore_mem>>) src(%arg11 : memref<128x128xf32, #tpu.memory_space<vmem>>) dst(%dma_wait3A_154 : memref<10240x128xf32, #tpu.memory_space<vmem_shared>>)
        tpu.yield
      }) : () -> ()
      %scan3A_142 = arith.constant 0 : i32
      scf.yield %scan3A_142 : i32
    }
    %scan3A_38 = arith.constant 80 : i32
    %barrier3A_39 = arith.constant 0 : index
    tpu.barrier barrier_id(%barrier3A_39)
    %mul3A_40 = arith.constant 640 : i32
    %mul3A_41 = arith.muli %arg1, %mul3A_40 : i32
    %add3A_42 = arith.constant 0 : i32
    %add3A_43 = arith.addi %mul3A_41, %add3A_42 : i32
    "tpu.region"() ({
      %run_scoped3A = tpu.sem_alloc : memref<!tpu.dma_semaphore, #tpu.memory_space<semaphore_mem>>
      %dma_start3A = arith.constant 0 : i32
      %dma_start3A_75 = tpu.memref_slice %arg12[%add3A_43, %dma_start3A] : memref<10240x128xf32, #tpu.memory_space<vmem_shared>> -> memref<128x128xf32, #tpu.memory_space<vmem_shared>>
      %dma_start3A_76 = arith.constant 0 : i32
      %dma_start3A_77 = tpu.memref_slice %arg12[%add3A_43, %dma_start3A_76] : memref<10240x128xf32, #tpu.memory_space<vmem_shared>> -> memref<128x128xf32, #tpu.memory_space<vmem_shared>>
      tpu.enqueue_dma source(%dma_start3A_77 : memref<128x128xf32, #tpu.memory_space<vmem_shared>>) target(%arg11 : memref<128x128xf32, #tpu.memory_space<vmem>>) target_semaphore(%run_scoped3A : memref<!tpu.dma_semaphore, #tpu.memory_space<semaphore_mem>>)
      %dma_wait3A = arith.constant 0 : i32
      %dma_wait3A_78 = tpu.memref_slice %arg12[%add3A_43, %dma_wait3A] : memref<10240x128xf32, #tpu.memory_space<vmem_shared>> -> memref<128x128xf32, #tpu.memory_space<vmem_shared>>
      %dma_wait3A_79 = arith.constant 0 : i32
      %dma_wait3A_80 = tpu.memref_slice %arg12[%add3A_43, %dma_wait3A_79] : memref<10240x128xf32, #tpu.memory_space<vmem_shared>> -> memref<128x128xf32, #tpu.memory_space<vmem_shared>>
      tpu.wait_dma2 semaphore(%run_scoped3A : memref<!tpu.dma_semaphore, #tpu.memory_space<semaphore_mem>>) src(%dma_wait3A_80 : memref<128x128xf32, #tpu.memory_space<vmem_shared>>) dst(%arg11 : memref<128x128xf32, #tpu.memory_space<vmem>>)
      tpu.yield
    }) : () -> ()
    %mul3A_44 = arith.constant 10240 : i32
    %mul3A_45 = arith.muli %arg0, %mul3A_44 : i32
    %add3A_46 = arith.addi %mul3A_45, %add3A_43 : i32
    "tpu.region"() ({
      %run_scoped3A = tpu.sem_alloc : memref<!tpu.dma_semaphore, #tpu.memory_space<semaphore_mem>>
      %dma_start3A = arith.constant 0 : i32
      %dma_start3A_75 = tpu.memref_slice %arg6[%add3A_46, %dma_start3A] : memref<20480x128xf32, #tpu.memory_space<hbm>> -> memref<128x128xf32, #tpu.memory_space<hbm>>
      %dma_start3A_76 = arith.constant 0 : i32
      %dma_start3A_77 = tpu.memref_slice %arg6[%add3A_46, %dma_start3A_76] : memref<20480x128xf32, #tpu.memory_space<hbm>> -> memref<128x128xf32, #tpu.memory_space<hbm>>
      tpu.enqueue_dma source(%arg11 : memref<128x128xf32, #tpu.memory_space<vmem>>) target(%dma_start3A_77 : memref<128x128xf32, #tpu.memory_space<hbm>>) target_semaphore(%run_scoped3A : memref<!tpu.dma_semaphore, #tpu.memory_space<semaphore_mem>>)
      %dma_wait3A = arith.constant 0 : i32
      %dma_wait3A_78 = tpu.memref_slice %arg6[%add3A_46, %dma_wait3A] : memref<20480x128xf32, #tpu.memory_space<hbm>> -> memref<128x128xf32, #tpu.memory_space<hbm>>
      %dma_wait3A_79 = arith.constant 0 : i32
      %dma_wait3A_80 = tpu.memref_slice %arg6[%add3A_46, %dma_wait3A_79] : memref<20480x128xf32, #tpu.memory_space<hbm>> -> memref<128x128xf32, #tpu.memory_space<hbm>>
      tpu.wait_dma2 semaphore(%run_scoped3A : memref<!tpu.dma_semaphore, #tpu.memory_space<semaphore_mem>>) src(%arg11 : memref<128x128xf32, #tpu.memory_space<vmem>>) dst(%dma_wait3A_80 : memref<128x128xf32, #tpu.memory_space<hbm>>)
      tpu.yield
    }) : () -> ()
    %mul3A_47 = arith.constant 640 : i32
    %mul3A_48 = arith.muli %arg1, %mul3A_47 : i32
    %add3A_49 = arith.constant 128 : i32
    %add3A_50 = arith.addi %mul3A_48, %add3A_49 : i32
    "tpu.region"() ({
      %run_scoped3A = tpu.sem_alloc : memref<!tpu.dma_semaphore, #tpu.memory_space<semaphore_mem>>
      %dma_start3A = arith.constant 0 : i32
      %dma_start3A_75 = tpu.memref_slice %arg12[%add3A_50, %dma_start3A] : memref<10240x128xf32, #tpu.memory_space<vmem_shared>> -> memref<128x128xf32, #tpu.memory_space<vmem_shared>>
      %dma_start3A_76 = arith.constant 0 : i32
      %dma_start3A_77 = tpu.memref_slice %arg12[%add3A_50, %dma_start3A_76] : memref<10240x128xf32, #tpu.memory_space<vmem_shared>> -> memref<128x128xf32, #tpu.memory_space<vmem_shared>>
      tpu.enqueue_dma source(%dma_start3A_77 : memref<128x128xf32, #tpu.memory_space<vmem_shared>>) target(%arg11 : memref<128x128xf32, #tpu.memory_space<vmem>>) target_semaphore(%run_scoped3A : memref<!tpu.dma_semaphore, #tpu.memory_space<semaphore_mem>>)
      %dma_wait3A = arith.constant 0 : i32
      %dma_wait3A_78 = tpu.memref_slice %arg12[%add3A_50, %dma_wait3A] : memref<10240x128xf32, #tpu.memory_space<vmem_shared>> -> memref<128x128xf32, #tpu.memory_space<vmem_shared>>
      %dma_wait3A_79 = arith.constant 0 : i32
      %dma_wait3A_80 = tpu.memref_slice %arg12[%add3A_50, %dma_wait3A_79] : memref<10240x128xf32, #tpu.memory_space<vmem_shared>> -> memref<128x128xf32, #tpu.memory_space<vmem_shared>>
      tpu.wait_dma2 semaphore(%run_scoped3A : memref<!tpu.dma_semaphore, #tpu.memory_space<semaphore_mem>>) src(%dma_wait3A_80 : memref<128x128xf32, #tpu.memory_space<vmem_shared>>) dst(%arg11 : memref<128x128xf32, #tpu.memory_space<vmem>>)
      tpu.yield
    }) : () -> ()
    %mul3A_51 = arith.constant 10240 : i32
    %mul3A_52 = arith.muli %arg0, %mul3A_51 : i32
    %add3A_53 = arith.addi %mul3A_52, %add3A_50 : i32
    "tpu.region"() ({
      %run_scoped3A = tpu.sem_alloc : memref<!tpu.dma_semaphore, #tpu.memory_space<semaphore_mem>>
      %dma_start3A = arith.constant 0 : i32
      %dma_start3A_75 = tpu.memref_slice %arg6[%add3A_53, %dma_start3A] : memref<20480x128xf32, #tpu.memory_space<hbm>> -> memref<128x128xf32, #tpu.memory_space<hbm>>
      %dma_start3A_76 = arith.constant 0 : i32
      %dma_start3A_77 = tpu.memref_slice %arg6[%add3A_53, %dma_start3A_76] : memref<20480x128xf32, #tpu.memory_space<hbm>> -> memref<128x128xf32, #tpu.memory_space<hbm>>
      tpu.enqueue_dma source(%arg11 : memref<128x128xf32, #tpu.memory_space<vmem>>) target(%dma_start3A_77 : memref<128x128xf32, #tpu.memory_space<hbm>>) target_semaphore(%run_scoped3A : memref<!tpu.dma_semaphore, #tpu.memory_space<semaphore_mem>>)
      %dma_wait3A = arith.constant 0 : i32
      %dma_wait3A_78 = tpu.memref_slice %arg6[%add3A_53, %dma_wait3A] : memref<20480x128xf32, #tpu.memory_space<hbm>> -> memref<128x128xf32, #tpu.memory_space<hbm>>
      %dma_wait3A_79 = arith.constant 0 : i32
      %dma_wait3A_80 = tpu.memref_slice %arg6[%add3A_53, %dma_wait3A_79] : memref<20480x128xf32, #tpu.memory_space<hbm>> -> memref<128x128xf32, #tpu.memory_space<hbm>>
      tpu.wait_dma2 semaphore(%run_scoped3A : memref<!tpu.dma_semaphore, #tpu.memory_space<semaphore_mem>>) src(%arg11 : memref<128x128xf32, #tpu.memory_space<vmem>>) dst(%dma_wait3A_80 : memref<128x128xf32, #tpu.memory_space<hbm>>)
      tpu.yield
    }) : () -> ()
    %mul3A_54 = arith.constant 640 : i32
    %mul3A_55 = arith.muli %arg1, %mul3A_54 : i32
    %add3A_56 = arith.constant 256 : i32
    %add3A_57 = arith.addi %mul3A_55, %add3A_56 : i32
    "tpu.region"() ({
      %run_scoped3A = tpu.sem_alloc : memref<!tpu.dma_semaphore, #tpu.memory_space<semaphore_mem>>
      %dma_start3A = arith.constant 0 : i32
      %dma_start3A_75 = tpu.memref_slice %arg12[%add3A_57, %dma_start3A] : memref<10240x128xf32, #tpu.memory_space<vmem_shared>> -> memref<128x128xf32, #tpu.memory_space<vmem_shared>>
      %dma_start3A_76 = arith.constant 0 : i32
      %dma_start3A_77 = tpu.memref_slice %arg12[%add3A_57, %dma_start3A_76] : memref<10240x128xf32, #tpu.memory_space<vmem_shared>> -> memref<128x128xf32, #tpu.memory_space<vmem_shared>>
      tpu.enqueue_dma source(%dma_start3A_77 : memref<128x128xf32, #tpu.memory_space<vmem_shared>>) target(%arg11 : memref<128x128xf32, #tpu.memory_space<vmem>>) target_semaphore(%run_scoped3A : memref<!tpu.dma_semaphore, #tpu.memory_space<semaphore_mem>>)
      %dma_wait3A = arith.constant 0 : i32
      %dma_wait3A_78 = tpu.memref_slice %arg12[%add3A_57, %dma_wait3A] : memref<10240x128xf32, #tpu.memory_space<vmem_shared>> -> memref<128x128xf32, #tpu.memory_space<vmem_shared>>
      %dma_wait3A_79 = arith.constant 0 : i32
      %dma_wait3A_80 = tpu.memref_slice %arg12[%add3A_57, %dma_wait3A_79] : memref<10240x128xf32, #tpu.memory_space<vmem_shared>> -> memref<128x128xf32, #tpu.memory_space<vmem_shared>>
      tpu.wait_dma2 semaphore(%run_scoped3A : memref<!tpu.dma_semaphore, #tpu.memory_space<semaphore_mem>>) src(%dma_wait3A_80 : memref<128x128xf32, #tpu.memory_space<vmem_shared>>) dst(%arg11 : memref<128x128xf32, #tpu.memory_space<vmem>>)
      tpu.yield
    }) : () -> ()
    %mul3A_58 = arith.constant 10240 : i32
    %mul3A_59 = arith.muli %arg0, %mul3A_58 : i32
    %add3A_60 = arith.addi %mul3A_59, %add3A_57 : i32
    "tpu.region"() ({
      %run_scoped3A = tpu.sem_alloc : memref<!tpu.dma_semaphore, #tpu.memory_space<semaphore_mem>>
      %dma_start3A = arith.constant 0 : i32
      %dma_start3A_75 = tpu.memref_slice %arg6[%add3A_60, %dma_start3A] : memref<20480x128xf32, #tpu.memory_space<hbm>> -> memref<128x128xf32, #tpu.memory_space<hbm>>
      %dma_start3A_76 = arith.constant 0 : i32
      %dma_start3A_77 = tpu.memref_slice %arg6[%add3A_60, %dma_start3A_76] : memref<20480x128xf32, #tpu.memory_space<hbm>> -> memref<128x128xf32, #tpu.memory_space<hbm>>
      tpu.enqueue_dma source(%arg11 : memref<128x128xf32, #tpu.memory_space<vmem>>) target(%dma_start3A_77 : memref<128x128xf32, #tpu.memory_space<hbm>>) target_semaphore(%run_scoped3A : memref<!tpu.dma_semaphore, #tpu.memory_space<semaphore_mem>>)
      %dma_wait3A = arith.constant 0 : i32
      %dma_wait3A_78 = tpu.memref_slice %arg6[%add3A_60, %dma_wait3A] : memref<20480x128xf32, #tpu.memory_space<hbm>> -> memref<128x128xf32, #tpu.memory_space<hbm>>
      %dma_wait3A_79 = arith.constant 0 : i32
      %dma_wait3A_80 = tpu.memref_slice %arg6[%add3A_60, %dma_wait3A_79] : memref<20480x128xf32, #tpu.memory_space<hbm>> -> memref<128x128xf32, #tpu.memory_space<hbm>>
      tpu.wait_dma2 semaphore(%run_scoped3A : memref<!tpu.dma_semaphore, #tpu.memory_space<semaphore_mem>>) src(%arg11 : memref<128x128xf32, #tpu.memory_space<vmem>>) dst(%dma_wait3A_80 : memref<128x128xf32, #tpu.memory_space<hbm>>)
      tpu.yield
    }) : () -> ()
    %mul3A_61 = arith.constant 640 : i32
    %mul3A_62 = arith.muli %arg1, %mul3A_61 : i32
    %add3A_63 = arith.constant 384 : i32
    %add3A_64 = arith.addi %mul3A_62, %add3A_63 : i32
    "tpu.region"() ({
      %run_scoped3A = tpu.sem_alloc : memref<!tpu.dma_semaphore, #tpu.memory_space<semaphore_mem>>
      %dma_start3A = arith.constant 0 : i32
      %dma_start3A_75 = tpu.memref_slice %arg12[%add3A_64, %dma_start3A] : memref<10240x128xf32, #tpu.memory_space<vmem_shared>> -> memref<128x128xf32, #tpu.memory_space<vmem_shared>>
      %dma_start3A_76 = arith.constant 0 : i32
      %dma_start3A_77 = tpu.memref_slice %arg12[%add3A_64, %dma_start3A_76] : memref<10240x128xf32, #tpu.memory_space<vmem_shared>> -> memref<128x128xf32, #tpu.memory_space<vmem_shared>>
      tpu.enqueue_dma source(%dma_start3A_77 : memref<128x128xf32, #tpu.memory_space<vmem_shared>>) target(%arg11 : memref<128x128xf32, #tpu.memory_space<vmem>>) target_semaphore(%run_scoped3A : memref<!tpu.dma_semaphore, #tpu.memory_space<semaphore_mem>>)
      %dma_wait3A = arith.constant 0 : i32
      %dma_wait3A_78 = tpu.memref_slice %arg12[%add3A_64, %dma_wait3A] : memref<10240x128xf32, #tpu.memory_space<vmem_shared>> -> memref<128x128xf32, #tpu.memory_space<vmem_shared>>
      %dma_wait3A_79 = arith.constant 0 : i32
      %dma_wait3A_80 = tpu.memref_slice %arg12[%add3A_64, %dma_wait3A_79] : memref<10240x128xf32, #tpu.memory_space<vmem_shared>> -> memref<128x128xf32, #tpu.memory_space<vmem_shared>>
      tpu.wait_dma2 semaphore(%run_scoped3A : memref<!tpu.dma_semaphore, #tpu.memory_space<semaphore_mem>>) src(%dma_wait3A_80 : memref<128x128xf32, #tpu.memory_space<vmem_shared>>) dst(%arg11 : memref<128x128xf32, #tpu.memory_space<vmem>>)
      tpu.yield
    }) : () -> ()
    %mul3A_65 = arith.constant 10240 : i32
    %mul3A_66 = arith.muli %arg0, %mul3A_65 : i32
    %add3A_67 = arith.addi %mul3A_66, %add3A_64 : i32
    "tpu.region"() ({
      %run_scoped3A = tpu.sem_alloc : memref<!tpu.dma_semaphore, #tpu.memory_space<semaphore_mem>>
      %dma_start3A = arith.constant 0 : i32
      %dma_start3A_75 = tpu.memref_slice %arg6[%add3A_67, %dma_start3A] : memref<20480x128xf32, #tpu.memory_space<hbm>> -> memref<128x128xf32, #tpu.memory_space<hbm>>
      %dma_start3A_76 = arith.constant 0 : i32
      %dma_start3A_77 = tpu.memref_slice %arg6[%add3A_67, %dma_start3A_76] : memref<20480x128xf32, #tpu.memory_space<hbm>> -> memref<128x128xf32, #tpu.memory_space<hbm>>
      tpu.enqueue_dma source(%arg11 : memref<128x128xf32, #tpu.memory_space<vmem>>) target(%dma_start3A_77 : memref<128x128xf32, #tpu.memory_space<hbm>>) target_semaphore(%run_scoped3A : memref<!tpu.dma_semaphore, #tpu.memory_space<semaphore_mem>>)
      %dma_wait3A = arith.constant 0 : i32
      %dma_wait3A_78 = tpu.memref_slice %arg6[%add3A_67, %dma_wait3A] : memref<20480x128xf32, #tpu.memory_space<hbm>> -> memref<128x128xf32, #tpu.memory_space<hbm>>
      %dma_wait3A_79 = arith.constant 0 : i32
      %dma_wait3A_80 = tpu.memref_slice %arg6[%add3A_67, %dma_wait3A_79] : memref<20480x128xf32, #tpu.memory_space<hbm>> -> memref<128x128xf32, #tpu.memory_space<hbm>>
      tpu.wait_dma2 semaphore(%run_scoped3A : memref<!tpu.dma_semaphore, #tpu.memory_space<semaphore_mem>>) src(%arg11 : memref<128x128xf32, #tpu.memory_space<vmem>>) dst(%dma_wait3A_80 : memref<128x128xf32, #tpu.memory_space<hbm>>)
      tpu.yield
    }) : () -> ()
    %mul3A_68 = arith.constant 640 : i32
    %mul3A_69 = arith.muli %arg1, %mul3A_68 : i32
    %add3A_70 = arith.constant 512 : i32
    %add3A_71 = arith.addi %mul3A_69, %add3A_70 : i32
    "tpu.region"() ({
      %run_scoped3A = tpu.sem_alloc : memref<!tpu.dma_semaphore, #tpu.memory_space<semaphore_mem>>
      %dma_start3A = arith.constant 0 : i32
      %dma_start3A_75 = tpu.memref_slice %arg12[%add3A_71, %dma_start3A] : memref<10240x128xf32, #tpu.memory_space<vmem_shared>> -> memref<128x128xf32, #tpu.memory_space<vmem_shared>>
      %dma_start3A_76 = arith.constant 0 : i32
      %dma_start3A_77 = tpu.memref_slice %arg12[%add3A_71, %dma_start3A_76] : memref<10240x128xf32, #tpu.memory_space<vmem_shared>> -> memref<128x128xf32, #tpu.memory_space<vmem_shared>>
      tpu.enqueue_dma source(%dma_start3A_77 : memref<128x128xf32, #tpu.memory_space<vmem_shared>>) target(%arg11 : memref<128x128xf32, #tpu.memory_space<vmem>>) target_semaphore(%run_scoped3A : memref<!tpu.dma_semaphore, #tpu.memory_space<semaphore_mem>>)
      %dma_wait3A = arith.constant 0 : i32
      %dma_wait3A_78 = tpu.memref_slice %arg12[%add3A_71, %dma_wait3A] : memref<10240x128xf32, #tpu.memory_space<vmem_shared>> -> memref<128x128xf32, #tpu.memory_space<vmem_shared>>
      %dma_wait3A_79 = arith.constant 0 : i32
      %dma_wait3A_80 = tpu.memref_slice %arg12[%add3A_71, %dma_wait3A_79] : memref<10240x128xf32, #tpu.memory_space<vmem_shared>> -> memref<128x128xf32, #tpu.memory_space<vmem_shared>>
      tpu.wait_dma2 semaphore(%run_scoped3A : memref<!tpu.dma_semaphore, #tpu.memory_space<semaphore_mem>>) src(%dma_wait3A_80 : memref<128x128xf32, #tpu.memory_space<vmem_shared>>) dst(%arg11 : memref<128x128xf32, #tpu.memory_space<vmem>>)
      tpu.yield
    }) : () -> ()
    %mul3A_72 = arith.constant 10240 : i32
    %mul3A_73 = arith.muli %arg0, %mul3A_72 : i32
    %add3A_74 = arith.addi %mul3A_73, %add3A_71 : i32
    "tpu.region"() ({
      %run_scoped3A = tpu.sem_alloc : memref<!tpu.dma_semaphore, #tpu.memory_space<semaphore_mem>>
      %dma_start3A = arith.constant 0 : i32
      %dma_start3A_75 = tpu.memref_slice %arg6[%add3A_74, %dma_start3A] : memref<20480x128xf32, #tpu.memory_space<hbm>> -> memref<128x128xf32, #tpu.memory_space<hbm>>
      %dma_start3A_76 = arith.constant 0 : i32
      %dma_start3A_77 = tpu.memref_slice %arg6[%add3A_74, %dma_start3A_76] : memref<20480x128xf32, #tpu.memory_space<hbm>> -> memref<128x128xf32, #tpu.memory_space<hbm>>
      tpu.enqueue_dma source(%arg11 : memref<128x128xf32, #tpu.memory_space<vmem>>) target(%dma_start3A_77 : memref<128x128xf32, #tpu.memory_space<hbm>>) target_semaphore(%run_scoped3A : memref<!tpu.dma_semaphore, #tpu.memory_space<semaphore_mem>>)
      %dma_wait3A = arith.constant 0 : i32
      %dma_wait3A_78 = tpu.memref_slice %arg6[%add3A_74, %dma_wait3A] : memref<20480x128xf32, #tpu.memory_space<hbm>> -> memref<128x128xf32, #tpu.memory_space<hbm>>
      %dma_wait3A_79 = arith.constant 0 : i32
      %dma_wait3A_80 = tpu.memref_slice %arg6[%add3A_74, %dma_wait3A_79] : memref<20480x128xf32, #tpu.memory_space<hbm>> -> memref<128x128xf32, #tpu.memory_space<hbm>>
      tpu.wait_dma2 semaphore(%run_scoped3A : memref<!tpu.dma_semaphore, #tpu.memory_space<semaphore_mem>>) src(%arg11 : memref<128x128xf32, #tpu.memory_space<vmem>>) dst(%dma_wait3A_80 : memref<128x128xf32, #tpu.memory_space<hbm>>)
      tpu.yield
    }) : () -> ()
    return
  }
}

module attributes {stable_mosaic.version = 14 : i64} {
  func.func @_mm_body(%arg0: i32, %arg1: i32, %arg2: memref<1000x256xf32, #tpu.memory_space<vmem>>, %arg3: memref<256x128xf32, #tpu.memory_space<vmem>>, %arg4: memref<1000x128xf32, #tpu.memory_space<vmem>>) attributes {dimension_semantics = [#tpu.dimension_semantics<arbitrary>, #tpu.dimension_semantics<arbitrary>], iteration_bounds = array<i64: 10, 2>, scalar_prefetch = 0 : i64, scratch_operands = 0 : i64, tpu.core_type = #tpu.core_type<tc>, window_params = [{transform_indices = @transform_0, window_bounds = array<i64: 1000, 256>}, {transform_indices = @transform_1, window_bounds = array<i64: 256, 128>}, {transform_indices = @transform_2, window_bounds = array<i64: 1000, 128>}]} {
    %get3A = arith.constant 0 : index
    %get3A_0 = arith.constant 0 : index
    %get3A_1 = vector.load %arg2[%get3A, %get3A_0] : memref<1000x256xf32, #tpu.memory_space<vmem>>, vector<1000x256xf32>
    %get3A_2 = arith.constant 0 : index
    %get3A_3 = arith.constant 0 : index
    %get3A_4 = vector.load %arg3[%get3A_2, %get3A_3] : memref<256x128xf32, #tpu.memory_space<vmem>>, vector<256x128xf32>
    %dot_general3A = arith.constant dense<0.000000e+00> : vector<1000x128xf32>
    %dot_general3A_5 = tpu.matmul %get3A_1, %get3A_4, %dot_general3A {dimension_numbers = #tpu.dot_dimension_numbers<[1], [0], [0], [1], [0, 0, 1, 1], [], []>, transpose_lhs_hint = false} : vector<1000x256xf32>, vector<256x128xf32>, vector<1000x128xf32> -> vector<1000x128xf32>
    %swap3A = arith.constant 0 : index
    %swap3A_6 = arith.constant 0 : index
    %swap3A_7 = vector.load %arg4[%swap3A, %swap3A_6] : memref<1000x128xf32, #tpu.memory_space<vmem>>, vector<1000x128xf32>
    tpu.vector_store %arg4[%swap3A, %swap3A_6], %dot_general3A_5 {strides = array<i32>} : memref<1000x128xf32, #tpu.memory_space<vmem>>, vector<1000x128xf32>,
    return
  }
  func.func @transform_0(%arg0: i32, %arg1: i32) -> (i32, i32) {
    %c0_i32 = arith.constant 0 : i32
    %c0_i32_0 = arith.constant 0 : i32
    return %arg0, %c0_i32 : i32, i32
  }
  func.func @transform_1(%arg0: i32, %arg1: i32) -> (i32, i32) {
    %c0_i32 = arith.constant 0 : i32
    %c0_i32_0 = arith.constant 0 : i32
    return %c0_i32, %arg1 : i32, i32
  }
  func.func @transform_2(%arg0: i32, %arg1: i32) -> (i32, i32) {
    %mul3A = arith.constant 10 : i32
    %mul3A_0 = arith.muli %arg1, %mul3A : i32
    %add3A = arith.addi %mul3A_0, %arg0 : i32
    %c0_i32 = arith.constant 0 : i32
    %c0_i32_1 = arith.constant 0 : i32
    return %add3A, %c0_i32 : i32, i32
  }
}

module attributes {stable_mosaic.version = 14 : i64} {
  func.func @_head_body(%arg0: i32, %arg1: memref<1000x128xf32, #tpu.memory_space<vmem>>, %arg2: memref<1000x128xf32, #tpu.memory_space<vmem>>, %arg3: memref<1000x128xf32, #tpu.memory_space<vmem>>, %arg4: memref<1000x128xf32, #tpu.memory_space<vmem>>, %arg5: memref<1000x1xf32, #tpu.memory_space<vmem>>, %arg6: memref<1x256xf32, #tpu.memory_space<vmem>>, %arg7: memref<256x1xf32, #tpu.memory_space<vmem>>, %arg8: memref<1x1xf32, #tpu.memory_space<vmem>>, %arg9: memref<1000x1xf32, #tpu.memory_space<vmem>>) attributes {dimension_semantics = [#tpu.dimension_semantics<arbitrary>], iteration_bounds = array<i64: 10>, scalar_prefetch = 0 : i64, scratch_operands = 0 : i64, tpu.core_type = #tpu.core_type<tc>, window_params = [{transform_indices = @transform_0, window_bounds = array<i64: 1000, 128>}, {transform_indices = @transform_1, window_bounds = array<i64: 1000, 128>}, {transform_indices = @transform_2, window_bounds = array<i64: 1000, 128>}, {transform_indices = @transform_3, window_bounds = array<i64: 1000, 128>}, {transform_indices = @transform_4, window_bounds = array<i64: 1000, 1>}, {pipeline_mode = #tpu.pipeline_mode<synchronous>, transform_indices = @transform_5, window_bounds = array<i64: 1, 256>}, {pipeline_mode = #tpu.pipeline_mode<synchronous>, transform_indices = @transform_6, window_bounds = array<i64: 256, 1>}, {pipeline_mode = #tpu.pipeline_mode<synchronous>, transform_indices = @transform_7, window_bounds = array<i64: 1, 1>}, {transform_indices = @transform_8, window_bounds = array<i64: 1000, 1>}]} {
    %get3A = arith.constant 0 : index
    %get3A_0 = arith.constant 0 : index
    %get3A_1 = vector.load %arg5[%get3A, %get3A_0] : memref<1000x1xf32, #tpu.memory_space<vmem>>, vector<1000x1xf32>
    %get3A_2 = arith.constant 0 : index
    %get3A_3 = arith.constant 0 : index
    %get3A_4 = vector.load %arg1[%get3A_2, %get3A_3] : memref<1000x128xf32, #tpu.memory_space<vmem>>, vector<1000x128xf32>
    %get3A_5 = arith.constant 0 : index
    %get3A_6 = arith.constant 0 : index
    %get3A_7 = vector.load %arg3[%get3A_5, %get3A_6] : memref<1000x128xf32, #tpu.memory_space<vmem>>, vector<1000x128xf32>
    %mul3A = vector.broadcast %get3A_1 : vector<1000x1xf32> to vector<1000x128xf32>
    %mul3A_8 = arith.mulf %mul3A, %get3A_7 : vector<1000x128xf32>
    %add3A = arith.addf %get3A_4, %mul3A_8 : vector<1000x128xf32>
    %mul3A_9 = vector.broadcast %get3A_1 : vector<1000x1xf32> to vector<1000x128xf32>
    %mul3A_10 = arith.mulf %mul3A_9, %add3A : vector<1000x128xf32>
    %get3A_11 = arith.constant 0 : index
    %get3A_12 = arith.constant 0 : index
    %get3A_13 = vector.load %arg6[%get3A_11, %get3A_12] : memref<1x256xf32, #tpu.memory_space<vmem>>, vector<1x128xf32>
    %add3A_14 = vector.broadcast %get3A_13 : vector<1x128xf32> to vector<1000x128xf32>
    %add3A_15 = arith.addf %mul3A_10, %add3A_14 : vector<1000x128xf32>
    %max3A = arith.constant 0.000000e+00 : f32
    %max3A_16 = vector.broadcast %max3A : f32 to vector<1000x128xf32>
    %max3A_17 = arith.maximumf %add3A_15, %max3A_16 : vector<1000x128xf32>
    %get3A_18 = arith.constant 0 : index
    %get3A_19 = arith.constant 0 : index
    %get3A_20 = vector.load %arg2[%get3A_18, %get3A_19] : memref<1000x128xf32, #tpu.memory_space<vmem>>, vector<1000x128xf32>
    %get3A_21 = arith.constant 0 : index
    %get3A_22 = arith.constant 0 : index
    %get3A_23 = vector.load %arg4[%get3A_21, %get3A_22] : memref<1000x128xf32, #tpu.memory_space<vmem>>, vector<1000x128xf32>
    %mul3A_24 = vector.broadcast %get3A_1 : vector<1000x1xf32> to vector<1000x128xf32>
    %mul3A_25 = arith.mulf %mul3A_24, %get3A_23 : vector<1000x128xf32>
    %add3A_26 = arith.addf %get3A_20, %mul3A_25 : vector<1000x128xf32>
    %mul3A_27 = vector.broadcast %get3A_1 : vector<1000x1xf32> to vector<1000x128xf32>
    %mul3A_28 = arith.mulf %mul3A_27, %add3A_26 : vector<1000x128xf32>
    %get3A_29 = arith.constant 0 : index
    %get3A_30 = arith.constant 128 : index
    %get3A_31 = vector.load %arg6[%get3A_29, %get3A_30] : memref<1x256xf32, #tpu.memory_space<vmem>>, vector<1x128xf32>
    %add3A_32 = vector.broadcast %get3A_31 : vector<1x128xf32> to vector<1000x128xf32>
    %add3A_33 = arith.addf %mul3A_28, %add3A_32 : vector<1000x128xf32>
    %max3A_34 = arith.constant 0.000000e+00 : f32
    %max3A_35 = vector.broadcast %max3A_34 : f32 to vector<1000x128xf32>
    %max3A_36 = arith.maximumf %add3A_33, %max3A_35 : vector<1000x128xf32>
    %get3A_37 = arith.constant 0 : index
    %get3A_38 = arith.constant 0 : index
    %get3A_39 = vector.load %arg7[%get3A_37, %get3A_38] : memref<256x1xf32, #tpu.memory_space<vmem>>, vector<128x1xf32>
    %dot_general3A = arith.constant dense<0.000000e+00> : vector<1000x1xf32>
    %dot_general3A_40 = tpu.matmul %max3A_17, %get3A_39, %dot_general3A {dimension_numbers = #tpu.dot_dimension_numbers<[1], [0], [0], [1], [0, 0, 1, 1], [], []>, transpose_lhs_hint = false} : vector<1000x128xf32>, vector<128x1xf32>, vector<1000x1xf32> -> vector<1000x1xf32>
    %get3A_41 = arith.constant 128 : index
    %get3A_42 = arith.constant 0 : index
    %get3A_43 = vector.load %arg7[%get3A_41, %get3A_42] : memref<256x1xf32, #tpu.memory_space<vmem>>, vector<128x1xf32>
    %dot_general3A_44 = arith.constant dense<0.000000e+00> : vector<1000x1xf32>
    %dot_general3A_45 = tpu.matmul %max3A_36, %get3A_43, %dot_general3A_44 {dimension_numbers = #tpu.dot_dimension_numbers<[1], [0], [0], [1], [0, 0, 1, 1], [], []>, transpose_lhs_hint = false} : vector<1000x128xf32>, vector<128x1xf32>, vector<1000x1xf32> -> vector<1000x1xf32>
    %add3A_46 = arith.addf %dot_general3A_40, %dot_general3A_45 : vector<1000x1xf32>
    %get3A_47 = arith.constant 0 : index
    %get3A_48 = arith.constant 0 : index
    %get3A_49 = vector.load %arg8[%get3A_47, %get3A_48] : memref<1x1xf32, #tpu.memory_space<vmem>>, vector<1x1xf32>
    %add3A_50 = vector.broadcast %get3A_49 : vector<1x1xf32> to vector<1000x1xf32>
    %add3A_51 = arith.addf %add3A_46, %add3A_50 : vector<1000x1xf32>
    %swap3A = arith.constant 0 : index
    %swap3A_52 = arith.constant 0 : index
    %swap3A_53 = vector.load %arg9[%swap3A, %swap3A_52] : memref<1000x1xf32, #tpu.memory_space<vmem>>, vector<1000x1xf32>
    tpu.vector_store %arg9[%swap3A, %swap3A_52], %add3A_51 {strides = array<i32>} : memref<1000x1xf32, #tpu.memory_space<vmem>>, vector<1000x1xf32>,
    return
  }
  func.func @transform_0(%arg0: i32) -> (i32, i32) {
    %c0_i32 = arith.constant 0 : i32
    %c0_i32_0 = arith.constant 0 : i32
    return %arg0, %c0_i32 : i32, i32
  }
  func.func @transform_1(%arg0: i32) -> (i32, i32) {
    %c0_i32 = arith.constant 0 : i32
    %c0_i32_0 = arith.constant 0 : i32
    return %arg0, %c0_i32 : i32, i32
  }
  func.func @transform_2(%arg0: i32) -> (i32, i32) {
    %c0_i32 = arith.constant 0 : i32
    %c0_i32_0 = arith.constant 0 : i32
    return %arg0, %c0_i32 : i32, i32
  }
  func.func @transform_3(%arg0: i32) -> (i32, i32) {
    %add3A = arith.constant 10 : i32
    %add3A_0 = arith.addi %arg0, %add3A : i32
    %c0_i32 = arith.constant 0 : i32
    %c0_i32_1 = arith.constant 0 : i32
    return %add3A_0, %c0_i32 : i32, i32
  }
  func.func @transform_4(%arg0: i32) -> (i32, i32) {
    %c0_i32 = arith.constant 0 : i32
    %c0_i32_0 = arith.constant 0 : i32
    return %arg0, %c0_i32 : i32, i32
  }
  func.func @transform_5(%arg0: i32) -> (i32, i32) {
    %c0_i32 = arith.constant 0 : i32
    %c0_i32_0 = arith.constant 0 : i32
    %c0_i32_1 = arith.constant 0 : i32
    return %c0_i32, %c0_i32_0 : i32, i32
  }
  func.func @transform_6(%arg0: i32) -> (i32, i32) {
    %c0_i32 = arith.constant 0 : i32
    %c0_i32_0 = arith.constant 0 : i32
    %c0_i32_1 = arith.constant 0 : i32
    return %c0_i32, %c0_i32_0 : i32, i32
  }
  func.func @transform_7(%arg0: i32) -> (i32, i32) {
    %c0_i32 = arith.constant 0 : i32
    %c0_i32_0 = arith.constant 0 : i32
    %c0_i32_1 = arith.constant 0 : i32
    return %c0_i32, %c0_i32_0 : i32, i32
  }
  func.func @transform_8(%arg0: i32) -> (i32, i32) {
    %c0_i32 = arith.constant 0 : i32
    %c0_i32_0 = arith.constant 0 : i32
    return %arg0, %c0_i32 : i32, i32
  }
}

</mosaic_0001>

<sc_bundles>
// kernel: kernel.6.cloned.1.call-start
scs
__scs_entry_jumppad:
0x0: {  	(pc) =	sbr.rel $0x88, $3  }
0x1: {  	(tag) =	ssettag $0x0;
	lr =	simm.s32 $0x1  }
0x2: {  	[smem:$0x3F9A] =	sst lr;
	_ =	strace $0xD0000000  }
0x3: {  	_ = 	snop  }
0x4: {  	_ = 	snop  }
0x5: {  	_ = 	snop  }
0x6: {  	_ = 	snop  }
0x7: {  	_ = 	snop  }
__scs_overlays_trampoline_lowered:
0x8: {  	[smem:$0x3FA9] =	sst s0  }
0x9: {  	[smem:$0x3FAA] =	sst s1  }
0xa: {  	[smem:$0x3FAB] =	sst s2  }
0xb: {  	[smem:$0x3FAC] =	sst s3  }
0xc: {  	[smem:$0x3FAD] =	sst s4  }
0xd: {  	[smem:$0x3FAE] =	sst s5  }
0xe: {  	[smem:$0x3FAF] =	sst s6  }
0xf: {  	[smem:$0x3FB0] =	sst s7  }
0x10: {  	[smem:$0x3FB1] =	sst s8  }
0x11: {  	[smem:$0x3FB2] =	sst s9;
	s0 =	simm.s32 @!p0 $0x0  }
0x12: {  	s1 =	sld [smem:$0x3F98];
	s0 =	simm.s32 @p0 $0x1  }
0x13: {  	[smem:$0x3FB3] =	sst s0;
	s0 =	simm.s32 @!p1 $0x0  }
0x14: {  	s2 =	sld [smem:$0x3F97];
	s0 =	simm.s32 @p1 $0x1  }
0x15: {  	[smem:$0x3FB4] =	sst s0;
	s0 =	simm.s32 @!p2 $0x0  }
0x16: {  	s3 =	sld [smem:$0x3FDB];
	s0 =	simm.s32 @p2 $0x1  }
0x17: {  	s4 =	simm.s32 $0x1BF5;
	[smem:$0x3FB6] =	sst s0  }
0x18: {  	s0 =	sld [smem:$0x3F99];
	_ =	swait.ge [sflag:s4], $0x0  }
0x19: {  	s7 =	sld [smem:$0x3F9A]  }
0x1a: {  	s8 =	sadd.s32 $0xFFFFE003, lr  }
0x1b: {  	s9 =	sadd.s32 $0xFFFFFEF7, lr;
	s5 =	simm.s32 $0xFFFFFFFF;
	p2 =	slt.u32 s8, $0xFFFFF086  }
0x1c: {  	p1 =	slt.u32 s9, $0xF7A;
	s5 =	simm.s32 @!p2 $0x0  }
0x1d: {  	s5 =	simm.s32 @p1 $0x1;
	p0 =	seq.s32 s7, s2  }
0x1e: {  	s7 =	smul.u32 @!p0 $0xF7A, s2;
	p2 =	seq.s32 @!p0 s5, $0x0  }
0x1f: {  	s9 =	smul.u32 $0xF7A, s1;
	s8 =	simm.s32 @!p0 $0x1BF5;
	p2 =	por !p2, p0  }
0x20: {  	[sflag:s8] =	ssyncset.s32 @!p0 $0xFFFFF086;
	s6 =	sadd.s32 @!p0 s3, s7;
	s7 =	simm.s32 @!p0 $0x108  }
0x21: {  	s3 =	sadd.s32 s3, s9;
	s6 =	sadd.s32 @!p0 $0x88, s6;
	s7 =	simm.s32 @p2 $0x1082  }
0x22: {  	[simem:s7], [sflag:s8] =	dma.local @!p0 [hbm:s6], $0xF7A  }
0x23: {  	s9 =	sor.u32 $0xD0000000, s2;
	s6 =	simm.s32 $0x108;
	_ =	swait.ge @!p0 [sflag:s8], $0x0  }
0x24: {  	s3 =	sadd.s32 $0x88, s3;
	s6 =	simm.s32 @!p1 $0x1082;
	[sflag:s4] =	ssyncset.s32 $0xFFFFF086  }
0x25: {  	[simem:s6], [sflag:s4] =	dma.local [hbm:s3], $0xF7A  }
0x26: {  	[smem:$0x3F9A] =	sst s1;
	(tag) =	ssettag s2;
	_ =	strace s9  }
0x27: {  	s1 =	sld [smem:$0x3FAA]  }
0x28: {  	s2 =	sld [smem:$0x3FAB]  }
0x29: {  	s4 =	sld [smem:$0x3FAD]  }
0x2a: {  	p0 =	seq.s32 s5, $0x0;
	s5 =	sld [smem:$0x3FAE]  }
0x2b: {  	s6 =	sld [smem:$0x3FAF]  }
0x2c: {  	s7 =	sld [smem:$0x3FB0]  }
0x2d: {  	s3 =	simm.s32 $0x108;
	s8 =	sld [smem:$0x3FB1]  }
0x2e: {  	s3 =	simm.s32 @!p0 $0x1082;
	s9 =	sld [smem:$0x3FB2]  }
0x2f: {  	lr =	sadd.s32 s0, s3;
	s0 =	sld [smem:$0x3FA9]  }
0x30: {  	s3 =	sld [smem:$0x3FAC]  }
0x31: {  	[smem:$0x3FB5] =	sst s10  }
0x32: {  	s10 =	sld [smem:$0x3FB3];
	_ =	sdelay $0x3  }
0x33: {  	p0 =	seq.s32 s10, $0x1;
	s10 =	sld [smem:$0x3FB5];
	_ =	sdelay $0x3  }
0x34: {  	[smem:$0x3FB5] =	sst s10  }
0x35: {  	s10 =	sld [smem:$0x3FB4];
	_ =	sdelay $0x3  }
0x36: {  	p1 =	seq.s32 s10, $0x1;
	s10 =	sld [smem:$0x3FB5];
	_ =	sdelay $0x3  }
0x37: {  	[smem:$0x3FB5] =	sst s10  }
0x38: {  	s10 =	sld [smem:$0x3FB6]  }
0x39: {  	_ = 	snop;
	(pc) =	sbr.ind lr, $3  }
0x3a: {  	_ = 	snop  }
0x3b: {  	_ = 	snop  }
0x3c: {  	p2 =	seq.s32 s10, $0x1;
	s10 =	sld [smem:$0x3FB5]  }
0x3d: {  	_ =	shalt  }
0x3e: {  	_ =	shalt  }
0x3f: {  	_ =	shalt  }
0x40: {  	_ =	shalt  }
0x41: {  	_ =	shalt  }
0x42: {  	_ =	shalt  }
0x43: {  	_ =	shalt  }
0x44: {  	_ =	shalt  }
0x45: {  	_ =	shalt  }
0x46: {  	_ =	shalt  }
0x47: {  	_ =	shalt  }
0x48: {  	_ =	shalt  }
0x49: {  	_ =	shalt  }
0x4a: {  	_ =	shalt  }
0x4b: {  	_ =	shalt  }
0x4c: {  	_ =	shalt  }
0x4d: {  	_ =	shalt  }
0x4e: {  	_ =	shalt  }
0x4f: {  	_ =	shalt  }
0x50: {  	_ =	shalt  }
0x51: {  	_ =	shalt  }
0x52: {  	_ =	shalt  }
0x53: {  	_ =	shalt  }
0x54: {  	_ =	shalt  }
0x55: {  	_ =	shalt  }
0x56: {  	_ =	shalt  }
0x57: {  	_ =	shalt  }
0x58: {  	_ =	shalt  }
0x59: {  	_ =	shalt  }
0x5a: {  	_ =	shalt  }
0x5b: {  	_ =	shalt  }
0x5c: {  	_ =	shalt  }
0x5d: {  	_ =	shalt  }
0x5e: {  	_ =	shalt  }
0x5f: {  	_ =	shalt  }
0x60: {  	_ =	shalt  }
0x61: {  	_ =	shalt  }
0x62: {  	_ =	shalt  }
0x63: {  	_ =	shalt  }
0x64: {  	_ =	shalt  }
0x65: {  	_ =	shalt  }
0x66: {  	_ =	shalt  }
0x67: {  	_ =	shalt  }
0x68: {  	_ =	shalt  }
0x69: {  	_ =	shalt  }
0x6a: {  	_ =	shalt  }
0x6b: {  	_ =	shalt  }
0x6c: {  	_ =	shalt  }
0x6d: {  	_ =	shalt  }
0x6e: {  	_ =	shalt  }
0x6f: {  	_ =	shalt  }
0x70: {  	_ =	shalt  }
0x71: {  	_ =	shalt  }
0x72: {  	_ =	shalt  }
0x73: {  	_ =	shalt  }
0x74: {  	_ =	shalt  }
0x75: {  	_ =	shalt  }
0x76: {  	_ =	shalt  }
0x77: {  	_ =	shalt  }
0x78: {  	_ =	shalt  }
0x79: {  	_ =	shalt  }
0x7a: {  	_ =	shalt  }
0x7b: {  	_ =	shalt  }
0x7c: {  	_ =	shalt  }
0x7d: {  	_ =	shalt  }
0x7e: {  	_ =	shalt  }
0x7f: {  	_ =	shalt  }
0x80: {  	_ =	shalt  }
0x81: {  	_ =	shalt  }
0x82: {  	_ =	shalt  }
0x83: {  	_ =	shalt  }
0x84: {  	_ =	shalt  }
0x85: {  	_ =	shalt  }
0x86: {  	_ =	shalt  }
0x87: {  	_ =	shalt  }
.Lfunc_end0:
.L_simem_size_0:
called_computation_lowered:
.L_overlay_start_0:
0x88: {  	s2 =	sld [smem:$0x3FD9]  }
0x89: {  	s3 =	sld [smem:$0x3FFE];
	_ =	sdelay $0x1  }
0x8a: {  	s1 =	srdreg.scid  }
0x8b: {  	s0 =	sand.u32 $0x1, s1  }
0x8c: {  	s17 =	sshll.u32 s0, $0xA;
	s2 =	sadd.s32 s3, s2  }
0x8d: {  	s2 =	sadd.s32 s2, s17  }
0x8e: {  	[smem:$0x3FC1] =	sst s2  }
0x8f: {  	_ = 	snop  }
0x90: {  	s2 =	sld [smem:$0x3FD0];
	(tm) =	ssettm $0x1  }
0x91: {  	s18 =	sld [smem:$0x3FFB];
	_ =	sdelay $0x3  }
0x92: {  	_ =	strace s18  }
0x93: {  	s3 =	sld [smem:$0x3FFC];
	_ =	sdelay $0x3  }
0x94: {  	_ =	strace s3  }
0x95: {  	s3 =	sld [smem:$0x3FFD];
	_ =	sdelay $0x3  }
0x96: {  	_ =	strace s3  }
0x97: {  	_ =	strace $0x8FFFFFFF  }
0x98: {  	s19 =	sld [smem:$0x3FDB];
	_ =	sdelay $0x1  }
0x99: {  	s4 =	simm.s32 $_scs_section_size  }
0x9a: {  	s5 =	simm.s32 $_size__tile_overlayer_lowered;
	s6 =	simm.s32 $_tile_overlayer_lowered  }
0x9b: {  	s22 =	simm.s32 $0x1BFF;
	s21 =	sshll.u32 s6, $0x1;
	s3 =	sadd.s32 s4, s19  }
0x9c: {  	s7 =	simm.s32 $0x0;
	s20 =	sshll.u32 s5, $0x1;
	s5 =	sadd.s32 s21, s3  }
0x9d: {  	[timem:s7], [sflag:s22] =	dma.local [hbm:s5], s20  }
0x9e: {  	_ =	swait.ge [sflag:s22], s20  }
0x9f: {  	s4 =	ssub.s32 $0x0, s20;
	[sflag:s22] =	ssyncset.done $0x0  }
0xa0: {  	[sflag:s22] =	ssyncadd.s32 s4;
	_ =	sdelay $0x1  }
0xa1: {  	s23 =	simm.s32 $0x1B8B  }
0xa2: {  	_ =	swait.ge [sflag:s23], $0x1  }
0xa3: {  	[sflag:s23] =	ssyncset.done $0x0  }
0xa4: {  	s25 =	simm.s32 $0x1B8E;
	s24 =	sld [smem:$0x3FFE];
	[sflag:s23] =	ssyncadd.s32 $0xFFFFFFFF  }
0xa5: {  	s26 =	simm.s32 $execute0_lowered;
	[smem:$0x3FD2] =	sst s25  }
0xa6: {  	s5 =	sshll.u32 s26, $0x1;
	_ =	strace $0x80000046;
	[dreg:$0x1] =	wrdreg $0xFFFFFFFF  }
0xa7: {  	s28 =	simm.s32 $_size_execute0_lowered;
	s3 =	sadd.s32 s3, s5;
	[dreg:$0x0] =	wrdreg $0x0  }
0xa8: {  	s5 =	sshll.u32 s28, $0x1;
	[dreg:$0x2] =	wrdreg s3  }
0xa9: {  	[dreg:$0x3] =	wrdreg s5  }
0xaa: {  	[dreg:$0x4] =	wrdreg $0xC0  }
0xab: {  	_ =	task [dreg:s7], $0x5FFFF  }
0xac: {  	[dreg:$0x1] =	wrdreg $0xFFFFFFFF  }
0xad: {  	[dreg:$0x0] =	wrdreg $0x60  }
0xae: {  	[dreg:$0x2] =	wrdreg s24  }
0xaf: {  	[dreg:$0x3] =	wrdreg s2  }
0xb0: {  	[dreg:$0x4] =	wrdreg $0xF2800  }
0xb1: {  	[dreg:$0x5] =	wrdreg $0x9  }
0xb2: {  	_ =	task.clear_ibuf [dreg:s7], $0x6FFFF;
	_ =	strace $0x90000046  }
0xb3: {  	s29 =	simm.s32 $0x9;
	_ =	strace $0x80000048  }
0xb4: {  	_ =	swait.ge [sflag:s29], $0x1  }
0xb5: {  	[sflag:s29] =	ssyncadd.s32 $0xFFFFFFFF  }
0xb6: {  	_ =	strace $0x90000048  }
0xb7: {  	_ =	sfence  }
0xb8: {  	s30 =	sld [smem:$0x0];
	_ =	sdelay $0x2  }
0xb9: {  	s31 =	sshll.u32 s1, $0xD;
	s1 =	sshrl.u32 s1, $0x2  }
0xba: {  	s3 =	sand.u32 $0x4000, s31;
	s1 =	sadd.s32 s1, s30  }
0xbb: {  	s0 =	sor.u32 s3, s0;
	s1 =	sshll.u32 s1, $0x11  }
0xbc: {  	s0 =	sor.u32 s1, s0  }
0xbd: {  	s0 =	sadd.s32 $0x8F2B, s0  }
0xbe: {  	[sflag:s0] =	ssyncadd.remote.s32 $0x1  }
0xbf: {  	_ =	sfence.sel $0xFFFF  }
0xc0: {  	[dreg:$0x0] =	wrdreg $0xFFFFFFFF;
	(pc) =	sbr.abs _section_cstart, $3  }
0xc1: {  	[dreg:$0x1] =	wrdreg $0xFFFFFFFF  }
0xc2: {  	_ =	task.clear_ibuf [dreg:s7], $0x2FFFF;
	_ =	strace $0x9FFFFFFF  }
0xc3: {  	(tm) =	ssettm $0x7FFFFFFF  }
tec
execute0_lowered:
.L_overlay_start_1:
0x0: {  	(tag) =	ssettag $0x1  }
0x1: {  	s4 =	rddreg [dreg:$0x0]  }
0x2: {  	s8 =	rddreg [dreg:$0x1]  }
0x3: {  	s2 =	rddreg [dreg:$0x2]  }
0x4: {  	s0 =	rddreg [dreg:$0x3];
	s3 =	simm.s32 $0x0  }
0x5: {  	s1 =	stileid.u32;
	s6 =	srdreg.scid;
	s14 =	simm.s32 $0x2800  }
0x6: {  	s15 =	simm.s32 $0x5000;
	s16 =	simm.s32 $0x80;
	s17 =	simm.s32 $0xA280  }
0x7: {  	s18 =	simm.s32 $0xCA80;
	s19 =	simm.s32 $0x7800;
	s5 =	smul.u32 $0x500, s1  }
0x8: {  	[smem:$0x7FF] =	sst s3;
	s6 =	sand.u32 $0x1, s6;
	s11 =	smul.u32 $0xA00, s1  }
0x9: {  	s20 =	simm.s32 $0x0;
	_ =	strace $0x80000047;
	s9 =	smul.u32 $0x5000, s6  }
0xa: {  	s10 =	sshll.u32 s6, $0x4;
	s6 =	ssub.s32 $0x2, s6;
	s7 =	sadd.s32 s5, s4  }
0xb: {  	s10 =	sor.u32 s1, s10;
	s29 =	sshrl.u32 s6, $0x1;
	s30 =	sshrl.u32 s11, $0x2  }
0xc: {  	s5 =	sadd.s32 s5, s9;
	s10 =	smul.u32 $0x140, s10;
	s13 =	ssub.s32 s6, s29  }
0xd: {  	s6 =	sadd.s32 $0x5E00, s7;
	s12 =	sadd.s32 s5, s4;
	s4 =	sadd.s32 s30, s2  }
0xe: {  	s5 =	sadd.s32 $0xAE00, s7;
	s7 =	sadd.s32 $0xE00, s7;
	s11 =	smax.u32 s13, $0x1  }
0xf: {  	s13 =	simm.s32 $0x1;
	s31 =	sshrl.u32 s10, $0x3;
	s9 =	sadd.s32 $0xCA80, s10  }
0x10: {  	v0 =	vimm.f32 $1.000000000e+00;
	s10 =	sadd.s32 $0xFE00, s12;
	s12 =	simm.s32 $0xA000;
	s8 =	sadd.s32 s8, s31  }
.LBB2_1:
0x11: {  	[tilespmem:$0xA000] =	vst v0  }
0x12: {  	[tilespmem:$0xA010] =	vst v0  }
0x13: {  	[tilespmem:$0xA020] =	vst v0  }
0x14: {  	[tilespmem:$0xA030] =	vst v0  }
0x15: {  	[tilespmem:$0xA040] =	vst v0  }
0x16: {  	[tilespmem:$0xA050] =	vst v0  }
0x17: {  	[tilespmem:$0xA060] =	vst v0  }
0x18: {  	[tilespmem:$0xA070] =	vst v0  }
0x19: {  	[tilespmem:$0xA080] =	vst v0  }
0x1a: {  	[tilespmem:$0xA090] =	vst v0  }
0x1b: {  	[tilespmem:$0xA0A0] =	vst v0  }
0x1c: {  	[tilespmem:$0xA0B0] =	vst v0  }
0x1d: {  	[tilespmem:$0xA0C0] =	vst v0  }
0x1e: {  	[tilespmem:$0xA0D0] =	vst v0  }
0x1f: {  	[tilespmem:$0xA0E0] =	vst v0  }
0x20: {  	[tilespmem:$0xA0F0] =	vst v0  }
0x21: {  	[tilespmem:$0xA100] =	vst v0  }
0x22: {  	[tilespmem:$0xA110] =	vst v0  }
0x23: {  	[tilespmem:$0xA120] =	vst v0  }
0x24: {  	[tilespmem:$0xA130] =	vst v0  }
0x25: {  	[tilespmem:$0xA140] =	vst v0  }
0x26: {  	[tilespmem:$0xA150] =	vst v0  }
0x27: {  	[tilespmem:$0xA160] =	vst v0  }
0x28: {  	[tilespmem:$0xA170] =	vst v0  }
0x29: {  	[tilespmem:$0xA180] =	vst v0  }
0x2a: {  	[tilespmem:$0xA190] =	vst v0  }
0x2b: {  	[tilespmem:$0xA1A0] =	vst v0  }
0x2c: {  	[tilespmem:$0xA1B0] =	vst v0  }
0x2d: {  	[tilespmem:$0xA1C0] =	vst v0  }
0x2e: {  	[tilespmem:$0xA1D0] =	vst v0  }
0x2f: {  	[tilespmem:$0xA1E0] =	vst v0  }
0x30: {  	[tilespmem:$0xA1F0] =	vst v0  }
0x31: {  	[tilespmem:$0xA200] =	vst v0  }
0x32: {  	[tilespmem:$0xA210] =	vst v0  }
0x33: {  	[tilespmem:$0xA220] =	vst v0  }
0x34: {  	[tilespmem:$0xA230] =	vst v0  }
0x35: {  	[tilespmem:$0xA240] =	vst v0  }
0x36: {  	[tilespmem:$0xA250] =	vst v0  }
0x37: {  	[tilespmem:$0xA260] =	vst v0  }
0x38: {  	[tilespmem:$0xA270] =	vst v0  }
0x39: {  	[spmem:s4] =	stream.linear.scatter [tilespmem:s12], [sflag:$0x1], $0x280, $0x38;
	[tilespmem:$0xF500] =	vst v63  }
0x3a: {  	_ =	swait.ge [sflag:s13], $0x280  }
0x3b: {  	[sflag:s13] =	ssyncset.done $0x0  }
0x3c: {  	[sflag:s13] =	ssyncadd.s32 $0xFFFFFD80  }
0x3d: {  	[bflag:$0x0] =	sbarrier.arrive $0xFFFF  }
0x3e: {  	[tilespmem:s3], [sflag:$0x1] =	stream.linear.gather [hbm4b:s5+s3], $0x2800, $0x38;
	[tilespmem:$0xF500] =	vst v63  }
0x3f: {  	_ =	swait.ge [sflag:s13], $0x2800  }
0x40: {  	[sflag:s13] =	ssyncset.done $0x0  }
0x41: {  	[sflag:s13] =	ssyncadd.s32 $0xFFFFD800  }
0x42: {  	[tilespmem:s14], [sflag:$0x1] =	stream.linear.gather [hbm4b:s6+s3], $0x2800, $0x38;
	[tilespmem:$0xF500] =	vst v63  }
0x43: {  	_ =	swait.ge [sflag:s13], $0x2800  }
0x44: {  	[sflag:s13] =	ssyncset.done $0x0  }
0x45: {  	[sflag:s13] =	ssyncadd.s32 $0xFFFFD800  }
0x46: {  	[tilespmem:s15], [sflag:$0x1] =	stream.linear.gather [hbm4b:s7+s3], $0x2800, $0x38;
	[tilespmem:$0xF500] =	vst v63  }
0x47: {  	_ =	swait.ge [sflag:s13], $0x2800  }
0x48: {  	[sflag:s13] =	ssyncset.done $0x0  }
0x49: {  	s21 =	simm.s32 $0x5000;
	s22 =	simm.s32 $0x2800;
	[sflag:s13] =	ssyncadd.s32 $0xFFFFD800  }
0x4a: {  	[spmem:s2] =	stream.indirect.scatter.add.f32 [tilespmem:s21], [sflag:$0x1], $0x1, s22, s16, $0xb8;
	[tilespmem:$0xF500] =	vst v63  }
0x4b: {  	s21 =	simm.s32 $0x200;
	_ =	swait.ge [sflag:s13], $0x80  }
.LBB2_2:
0x4c: {  	s22 =	sshra.s32 s21, $0x2  }
0x4d: {  	[sflag:s13] =	ssyncset.done $0x0;
	p0 =	sne.s32 s21, $0x9E00;
	s23 =	sadd.s32 $0x5000, s22  }
.Ltmp0:
0x4e: {  	s22 =	sadd.s32 $0x2800, s22;
	[sflag:s13] =	ssyncadd.s32 $0xFFFFFF80;
	(pc) =	sbr.rel @p0 .LBB2_2-.Ltmp0, $3  }
0x4f: {  	[spmem:s2] =	stream.indirect.scatter.add.f32 [tilespmem:s23], [sflag:$0x1], $0x1, s22, s16, $0xb8;
	[tilespmem:$0xF500] =	vst v63  }
0x50: {  	s21 =	sadd.s32 $0x200, s21;
	_ =	sdelay $0x1  }
0x51: {  	_ =	swait.ge [sflag:s13], $0x80  }
0x52: {  	[sflag:s13] =	ssyncset.done $0x0  }
0x53: {  	[sflag:s13] =	ssyncadd.s32 $0xFFFFFF80  }
0x54: {  	[bflag:$0x0] =	sbarrier.arrive $0xFFFF  }
0x55: {  	[tilespmem:s17], [sflag:$0x1] =	stream.linear.gather [spmem:s2], $0x2800, $0x38;
	[tilespmem:$0xF500] =	vst v63  }
0x56: {  	_ =	swait.ge [sflag:s13], $0x2800  }
0x57: {  	[sflag:s13] =	ssyncset.done $0x0  }
0x58: {  	s22 =	simm.s32 $0xA290;
	[sflag:s13] =	ssyncadd.s32 $0xFFFFD800  }
0x59: {  	v1 =	vld [tilespmem:s22+$0xFFFFFFF0];
	_ =	sdelay $0x4  }
0x5a: {  	v2 =	vshra.s32 v1, $0x1;
	v1 =	vmul.f32 $5.000000000e-01, v1  }
0x5b: {  	v2 =	vsub.s32 $0x5F3759DF, v2  }
0x5c: {  	v3 =	vmul.f32 v2, v1;
	_ =	sdelay $0x1  }
0x5d: {  	v3 =	vmul.f32 v2, v3;
	_ =	sdelay $0x1  }
0x5e: {  	v3 =	vsub.f32 $1.500000000e+00, v3;
	_ =	sdelay $0x1  }
0x5f: {  	v2 =	vmul.f32 v2, v3;
	_ =	sdelay $0x1  }
0x60: {  	v3 =	vmul.f32 v2, v1;
	_ =	sdelay $0x1  }
0x61: {  	v3 =	vmul.f32 v3, v2;
	_ =	sdelay $0x1  }
0x62: {  	v3 =	vsub.f32 $1.500000000e+00, v3;
	_ =	sdelay $0x1  }
0x63: {  	v2 =	vmul.f32 v3, v2;
	_ =	sdelay $0x1  }
0x64: {  	v1 =	vmul.f32 v2, v1;
	_ =	sdelay $0x1  }
0x65: {  	v1 =	vmul.f32 v1, v2;
	_ =	sdelay $0x1  }
0x66: {  	v1 =	vsub.f32 $1.500000000e+00, v1;
	_ =	sdelay $0x1  }
0x67: {  	v1 =	vmul.f32 v1, v2  }
0x68: {  	s21 =	simm.s32 $0xCA90  }
0x69: {  	[tilespmem:s21+$0xFFFFFFF0] =	vst v1  }
0x6a: {  	v1 =	vld [tilespmem:s22+$0x0];
	_ =	sdelay $0x4  }
0x6b: {  	v2 =	vshra.s32 v1, $0x1;
	v1 =	vmul.f32 $5.000000000e-01, v1  }
0x6c: {  	v2 =	vsub.s32 $0x5F3759DF, v2  }
0x6d: {  	v3 =	vmul.f32 v2, v1;
	_ =	sdelay $0x1  }
0x6e: {  	v3 =	vmul.f32 v2, v3;
	_ =	sdelay $0x1  }
0x6f: {  	v3 =	vsub.f32 $1.500000000e+00, v3;
	_ =	sdelay $0x1  }
0x70: {  	v2 =	vmul.f32 v2, v3;
	_ =	sdelay $0x1  }
0x71: {  	v3 =	vmul.f32 v2, v1;
	_ =	sdelay $0x1  }
0x72: {  	v3 =	vmul.f32 v3, v2;
	_ =	sdelay $0x1  }
0x73: {  	v3 =	vsub.f32 $1.500000000e+00, v3;
	_ =	sdelay $0x1  }
0x74: {  	v2 =	vmul.f32 v3, v2;
	_ =	sdelay $0x1  }
0x75: {  	v1 =	vmul.f32 v2, v1;
	_ =	sdelay $0x1  }
0x76: {  	v1 =	vmul.f32 v1, v2;
	_ =	sdelay $0x1  }
0x77: {  	v1 =	vsub.f32 $1.500000000e+00, v1;
	_ =	sdelay $0x1  }
0x78: {  	v1 =	vmul.f32 v1, v2;
	_ =	sdelay $0x1  }
0x79: {  	s23 =	simm.s32 $0xA2B0;
	s22 =	simm.s32 $0x0;
	[tilespmem:s21+$0x0] =	vst v1  }
.LBB2_4:
0x7a: {  	v1 =	vld [tilespmem:s23+$0xFFFFFFF0];
	s22 =	sadd.s32 $0x2, s22  }
0x7b: {  	p0 =	slt.u32 s22, $0x27E;
	_ =	sdelay $0x3  }
0x7c: {  	v2 =	vshra.s32 v1, $0x1;
	v1 =	vmul.f32 $5.000000000e-01, v1  }
0x7d: {  	v2 =	vsub.s32 $0x5F3759DF, v2  }
0x7e: {  	v3 =	vmul.f32 v2, v1;
	_ =	sdelay $0x1  }
0x7f: {  	v3 =	vmul.f32 v2, v3;
	_ =	sdelay $0x1  }
0x80: {  	v3 =	vsub.f32 $1.500000000e+00, v3;
	_ =	sdelay $0x1  }
0x81: {  	v2 =	vmul.f32 v2, v3;
	_ =	sdelay $0x1  }
0x82: {  	v3 =	vmul.f32 v2, v1;
	_ =	sdelay $0x1  }
0x83: {  	v3 =	vmul.f32 v3, v2;
	_ =	sdelay $0x1  }
0x84: {  	v3 =	vsub.f32 $1.500000000e+00, v3;
	_ =	sdelay $0x1  }
0x85: {  	v2 =	vmul.f32 v3, v2;
	_ =	sdelay $0x1  }
0x86: {  	v1 =	vmul.f32 v2, v1;
	_ =	sdelay $0x1  }
0x87: {  	v1 =	vmul.f32 v1, v2;
	_ =	sdelay $0x1  }
0x88: {  	v1 =	vsub.f32 $1.500000000e+00, v1;
	_ =	sdelay $0x1  }
0x89: {  	v1 =	vmul.f32 v1, v2  }
0x8a: {  	s21 =	sadd.s32 $0x20, s21  }
0x8b: {  	[tilespmem:s21+$0xFFFFFFF0] =	vst v1  }
0x8c: {  	v1 =	vld [tilespmem:s23+$0x0];
	_ =	sdelay $0x4  }
0x8d: {  	v2 =	vshra.s32 v1, $0x1;
	v1 =	vmul.f32 $5.000000000e-01, v1  }
0x8e: {  	v2 =	vsub.s32 $0x5F3759DF, v2  }
0x8f: {  	v3 =	vmul.f32 v2, v1;
	_ =	sdelay $0x1  }
0x90: {  	v3 =	vmul.f32 v2, v3;
	_ =	sdelay $0x1  }
0x91: {  	v3 =	vsub.f32 $1.500000000e+00, v3;
	_ =	sdelay $0x1  }
0x92: {  	v2 =	vmul.f32 v2, v3;
	_ =	sdelay $0x1  }
0x93: {  	v3 =	vmul.f32 v2, v1;
	_ =	sdelay $0x1  }
0x94: {  	v3 =	vmul.f32 v3, v2;
	_ =	sdelay $0x1  }
0x95: {  	v3 =	vsub.f32 $1.500000000e+00, v3;
	_ =	sdelay $0x1  }
0x96: {  	v2 =	vmul.f32 v3, v2;
	_ =	sdelay $0x1  }
0x97: {  	v1 =	vmul.f32 v2, v1;
	_ =	sdelay $0x1  }
0x98: {  	v1 =	vmul.f32 v1, v2;
	_ =	sdelay $0x1  }
.Ltmp1:
0x99: {  	v1 =	vsub.f32 $1.500000000e+00, v1;
	(pc) =	sbr.rel @p0 .LBB2_4-.Ltmp1, $3  }
0x9a: {  	_ = 	snop  }
0x9b: {  	v1 =	vmul.f32 v1, v2;
	_ =	sdelay $0x1  }
0x9c: {  	s23 =	sadd.s32 $0x20, s23;
	[tilespmem:s21+$0x0] =	vst v1  }
0x9d: {  	s21 =	simm.s32 $0x0  }
0x9e: {  	[hbm4b:s8+s21] =	stream.linear.scatter [tilespmem:s9], [sflag:$0x1], $0x140, $0x38;
	[tilespmem:$0xF500] =	vst v63  }
0x9f: {  	_ =	swait.ge [sflag:s13], $0x140  }
0xa0: {  	[sflag:s13] =	ssyncset.done $0x0  }
0xa1: {  	s21 =	simm.s32 $0x0;
	[sflag:s13] =	ssyncadd.s32 $0xFFFFFEC0  }
0xa2: {  	v1 =	vld [tilespmem:s21+$0x0];
	_ =	sdelay $0x5  }
0xa3: {  	v2 =	vld [tilespmem:s21+$0x5000]  }
0xa4: {  	v3 =	vld [tilespmem:s21+$0x10]  }
0xa5: {  	v1 =	vld.idx.msk [tilespmem:v1+s18+$0x0], $0xffff;
	_ =	sdelay $0x4  }
0xa6: {  	v1 =	vmul.f32 v1, v2;
	_ =	sdelay $0x1  }
0xa7: {  	[tilespmem:s21+$0x7800] =	vst v1;
	v1 =	vld [tilespmem:s21+$0x5010]  }
0xa8: {  	v2 =	vld.idx.msk [tilespmem:v3+s18+$0x0], $0xffff  }
0xa9: {  	v3 =	vld [tilespmem:s21+$0x20];
	_ =	sdelay $0x4  }
0xaa: {  	v1 =	vmul.f32 v2, v1;
	_ =	sdelay $0x1  }
0xab: {  	[tilespmem:s21+$0x7810] =	vst v1;
	v1 =	vld [tilespmem:s21+$0x5020]  }
0xac: {  	v2 =	vld.idx.msk [tilespmem:v3+s18+$0x0], $0xffff  }
0xad: {  	v3 =	vld [tilespmem:s21+$0x30];
	_ =	sdelay $0x4  }
0xae: {  	v1 =	vmul.f32 v2, v1;
	_ =	sdelay $0x1  }
0xaf: {  	[tilespmem:s21+$0x7820] =	vst v1;
	v1 =	vld [tilespmem:s21+$0x5030]  }
0xb0: {  	v2 =	vld.idx.msk [tilespmem:v3+s18+$0x0], $0xffff  }
0xb1: {  	v3 =	vld [tilespmem:s21+$0x40];
	_ =	sdelay $0x4  }
0xb2: {  	v1 =	vmul.f32 v2, v1;
	_ =	sdelay $0x1  }
0xb3: {  	[tilespmem:s21+$0x7830] =	vst v1;
	v1 =	vld [tilespmem:s21+$0x5040]  }
0xb4: {  	v2 =	vld.idx.msk [tilespmem:v3+s18+$0x0], $0xffff  }
0xb5: {  	v3 =	vld [tilespmem:s21+$0x50];
	_ =	sdelay $0x4  }
0xb6: {  	v1 =	vmul.f32 v2, v1;
	_ =	sdelay $0x1  }
0xb7: {  	[tilespmem:s21+$0x7840] =	vst v1;
	v1 =	vld [tilespmem:s21+$0x5050]  }
0xb8: {  	v2 =	vld.idx.msk [tilespmem:v3+s18+$0x0], $0xffff  }
0xb9: {  	v3 =	vld [tilespmem:s21+$0x60];
	_ =	sdelay $0x4  }
0xba: {  	v1 =	vmul.f32 v2, v1;
	_ =	sdelay $0x1  }
0xbb: {  	[tilespmem:s21+$0x7850] =	vst v1;
	v1 =	vld [tilespmem:s21+$0x5060]  }
0xbc: {  	v2 =	vld.idx.msk [tilespmem:v3+s18+$0x0], $0xffff  }
0xbd: {  	v3 =	vld [tilespmem:s21+$0x70];
	_ =	sdelay $0x4  }
0xbe: {  	v1 =	vmul.f32 v2, v1;
	_ =	sdelay $0x1  }
0xbf: {  	[tilespmem:s21+$0x7860] =	vst v1;
	v1 =	vld [tilespmem:s21+$0x5070]  }
0xc0: {  	s23 =	simm.s32 $0x80;
	s22 =	simm.s32 $0x400;
	v2 =	vld.idx.msk [tilespmem:v3+s18+$0x0], $0xffff  }
.LBB2_6:
0xc1: {  	p0 =	sne.s32 s22, $0x9E00;
	v3 =	vld [tilespmem:s23+$0x0];
	_ =	sdelay $0x4  }
0xc2: {  	v1 =	vmul.f32 v2, v1;
	_ =	sdelay $0x1  }
0xc3: {  	v2 =	vld [tilespmem:s23+$0x5000];
	[tilespmem:s21+$0x7870] =	vst v1;
	s21 =	smov.u32 s23  }
0xc4: {  	v1 =	vld.idx.msk [tilespmem:v3+s18+$0x0], $0xffff  }
0xc5: {  	v3 =	vld [tilespmem:s21+$0x10];
	_ =	sdelay $0x4  }
0xc6: {  	v1 =	vmul.f32 v1, v2;
	_ =	sdelay $0x1  }
0xc7: {  	[tilespmem:s21+$0x7800] =	vst v1;
	v1 =	vld [tilespmem:s21+$0x5010]  }
0xc8: {  	v2 =	vld.idx.msk [tilespmem:v3+s18+$0x0], $0xffff  }
0xc9: {  	v3 =	vld [tilespmem:s21+$0x20];
	_ =	sdelay $0x4  }
0xca: {  	v1 =	vmul.f32 v2, v1;
	_ =	sdelay $0x1  }
0xcb: {  	[tilespmem:s21+$0x7810] =	vst v1;
	v1 =	vld [tilespmem:s21+$0x5020]  }
0xcc: {  	v2 =	vld.idx.msk [tilespmem:v3+s18+$0x0], $0xffff  }
0xcd: {  	v3 =	vld [tilespmem:s21+$0x30];
	_ =	sdelay $0x4  }
0xce: {  	v1 =	vmul.f32 v2, v1;
	_ =	sdelay $0x1  }
0xcf: {  	[tilespmem:s21+$0x7820] =	vst v1;
	v1 =	vld [tilespmem:s21+$0x5030]  }
0xd0: {  	v2 =	vld.idx.msk [tilespmem:v3+s18+$0x0], $0xffff  }
0xd1: {  	v3 =	vld [tilespmem:s21+$0x40];
	_ =	sdelay $0x4  }
0xd2: {  	v1 =	vmul.f32 v2, v1;
	_ =	sdelay $0x1  }
0xd3: {  	[tilespmem:s21+$0x7830] =	vst v1;
	v1 =	vld [tilespmem:s21+$0x5040]  }
0xd4: {  	v2 =	vld.idx.msk [tilespmem:v3+s18+$0x0], $0xffff  }
0xd5: {  	v3 =	vld [tilespmem:s21+$0x50];
	_ =	sdelay $0x4  }
0xd6: {  	v1 =	vmul.f32 v2, v1;
	_ =	sdelay $0x1  }
0xd7: {  	[tilespmem:s21+$0x7840] =	vst v1;
	v1 =	vld [tilespmem:s21+$0x5050]  }
0xd8: {  	v2 =	vld.idx.msk [tilespmem:v3+s18+$0x0], $0xffff  }
0xd9: {  	v3 =	vld [tilespmem:s21+$0x60];
	_ =	sdelay $0x4  }
0xda: {  	v1 =	vmul.f32 v2, v1;
	_ =	sdelay $0x1  }
0xdb: {  	[tilespmem:s21+$0x7850] =	vst v1;
	v1 =	vld [tilespmem:s21+$0x5060]  }
0xdc: {  	v2 =	vld.idx.msk [tilespmem:v3+s18+$0x0], $0xffff  }
0xdd: {  	v3 =	vld [tilespmem:s21+$0x70];
	_ =	sdelay $0x3  }
.Ltmp2:
0xde: {  	(pc) =	sbr.rel @p0 .LBB2_6-.Ltmp2, $3  }
0xdf: {  	v1 =	vmul.f32 v2, v1;
	_ =	sdelay $0x1  }
0xe0: {  	[tilespmem:s21+$0x7860] =	vst v1;
	v1 =	vld [tilespmem:s21+$0x5070]  }
0xe1: {  	s23 =	sshra.s32 s22, $0x2;
	s22 =	sadd.s32 $0x200, s22;
	v2 =	vld.idx.msk [tilespmem:v3+s18+$0x0], $0xffff  }
0xe2: {  	v3 =	vld [tilespmem:s23+$0x0];
	_ =	sdelay $0x4  }
0xe3: {  	v1 =	vmul.f32 v2, v1;
	_ =	sdelay $0x1  }
0xe4: {  	v2 =	vld [tilespmem:s23+$0x5000];
	[tilespmem:s21+$0x7870] =	vst v1  }
0xe5: {  	v1 =	vld.idx.msk [tilespmem:v3+s18+$0x0], $0xffff  }
0xe6: {  	v3 =	vld [tilespmem:s23+$0x10];
	_ =	sdelay $0x4  }
0xe7: {  	v1 =	vmul.f32 v1, v2;
	_ =	sdelay $0x1  }
0xe8: {  	[tilespmem:s23+$0x7800] =	vst v1;
	v1 =	vld [tilespmem:s23+$0x5010]  }
0xe9: {  	v2 =	vld.idx.msk [tilespmem:v3+s18+$0x0], $0xffff  }
0xea: {  	v3 =	vld [tilespmem:s23+$0x20];
	_ =	sdelay $0x4  }
0xeb: {  	v1 =	vmul.f32 v2, v1;
	_ =	sdelay $0x1  }
0xec: {  	[tilespmem:s23+$0x7810] =	vst v1;
	v1 =	vld [tilespmem:s23+$0x5020]  }
0xed: {  	v2 =	vld.idx.msk [tilespmem:v3+s18+$0x0], $0xffff  }
0xee: {  	v3 =	vld [tilespmem:s23+$0x30];
	_ =	sdelay $0x4  }
0xef: {  	v1 =	vmul.f32 v2, v1;
	_ =	sdelay $0x1  }
0xf0: {  	[tilespmem:s23+$0x7820] =	vst v1;
	v1 =	vld [tilespmem:s23+$0x5030]  }
0xf1: {  	v2 =	vld.idx.msk [tilespmem:v3+s18+$0x0], $0xffff  }
0xf2: {  	v3 =	vld [tilespmem:s23+$0x40];
	_ =	sdelay $0x4  }
0xf3: {  	v1 =	vmul.f32 v2, v1;
	_ =	sdelay $0x1  }
0xf4: {  	[tilespmem:s23+$0x7830] =	vst v1;
	v1 =	vld [tilespmem:s23+$0x5040]  }
0xf5: {  	v2 =	vld.idx.msk [tilespmem:v3+s18+$0x0], $0xffff  }
0xf6: {  	v3 =	vld [tilespmem:s23+$0x50];
	_ =	sdelay $0x4  }
0xf7: {  	v1 =	vmul.f32 v2, v1;
	_ =	sdelay $0x1  }
0xf8: {  	[tilespmem:s23+$0x7840] =	vst v1;
	v1 =	vld [tilespmem:s23+$0x5050]  }
0xf9: {  	v2 =	vld.idx.msk [tilespmem:v3+s18+$0x0], $0xffff  }
0xfa: {  	v3 =	vld [tilespmem:s23+$0x60];
	_ =	sdelay $0x4  }
0xfb: {  	v1 =	vmul.f32 v2, v1;
	_ =	sdelay $0x1  }
0xfc: {  	[tilespmem:s23+$0x7850] =	vst v1;
	v1 =	vld [tilespmem:s23+$0x5060]  }
0xfd: {  	v2 =	vld.idx.msk [tilespmem:v3+s18+$0x0], $0xffff  }
0xfe: {  	v3 =	vld [tilespmem:s23+$0x70];
	_ =	sdelay $0x4  }
0xff: {  	v1 =	vmul.f32 v2, v1;
	_ =	sdelay $0x1  }
0x100: {  	[tilespmem:s23+$0x7860] =	vst v1;
	v1 =	vld [tilespmem:s23+$0x5070]  }
0x101: {  	v2 =	vld.idx.msk [tilespmem:v3+s18+$0x0], $0xffff;
	_ =	sdelay $0x4  }
0x102: {  	s20 =	sadd.s32 $0x1, s20;
	v1 =	vmul.f32 v2, v1  }
0x103: {  	p0 =	sne.s32 s20, s11  }
.Ltmp3:
0x104: {  	[tilespmem:s23+$0x7870] =	vst v1;
	(pc) =	sbr.rel @p0 .LBB2_1-.Ltmp3, $4  }
0x105: {  	[hbm4b:s10+s3] =	stream.linear.scatter [tilespmem:s19], [sflag:$0x1], $0x2800, $0x38;
	[tilespmem:$0xF500] =	vst v63  }
0x106: {  	_ =	swait.ge [sflag:s13], $0x2800  }
0x107: {  	[sflag:s13] =	ssyncset.done $0x0  }
0x108: {  	[sflag:s13] =	ssyncadd.s32 $0xFFFFD800  }
0x109: {  	_ =	sfence.sel $0x180000  }
0x10a: {  	[bflag:$0x0] =	sbarrier.arrive $0xFFFF  }
0x10b: {  	p0 =	sne.s32 s1, $0x0;
	_ =	strace $0x90000047  }
0x10c: {  	s0 =	sadd.s32 @!p0 $0x100000, s0;
	[bflag:$0x2] =	sbarrier.arrive $0xFFFF  }
0x10d: {  	[sflag:s0] =	ssyncadd.tile.s32 @!p0 $0x1;
	_ =	shalt  }
.Lfunc_end2:
_tile_overlayer_lowered:
.L_overlay_start_2:
0x10e: {  	(tag) =	ssettag $0x2  }
0x10f: {  	s0 =	rddreg [dreg:$0x0];
	s2 =	stileid.u32  }
0x110: {  	s1 =	rddreg [dreg:$0x1];
	p0 =	sne.s32 s2, $0x0  }
0x111: {  	s3 =	rddreg [dreg:$0x2];
	[bflag:$0x3] =	sbarrier.arrive $0xFFFF;
	s2 =	simm.s32 @!p0 $0x1C01  }
0x112: {  	[timem:s3], [sflag:s2] =	dma.local @!p0 [hbm:s0], s1  }
0x113: {  	s0 =	simm.s32 @!p0 $0x1  }
0x114: {  	_ =	swait.ge @!p0 [sflag:s0], s1  }
0x115: {  	s1 =	ssub.s32 @!p0 $0x0, s1;
	[sflag:s0] =	ssyncset.done @!p0 $0x0  }
0x116: {  	[sflag:s0] =	ssyncadd.s32 @!p0 s1  }
0x117: {  	[bflag:$0x3] =	sbarrier.arrive $0xFFFF  }
0x118: {  	_ =	shalt  }

// kernel: kernel.9.cloned.1.call-start
scs
__scs_entry_jumppad:
0x0: {  	(pc) =	sbr.rel $0x88, $3  }
0x1: {  	(tag) =	ssettag $0x0;
	lr =	simm.s32 $0x1  }
0x2: {  	[smem:$0x3F9A] =	sst lr;
	_ =	strace $0xD0000000  }
0x3: {  	_ = 	snop  }
0x4: {  	_ = 	snop  }
0x5: {  	_ = 	snop  }
0x6: {  	_ = 	snop  }
0x7: {  	_ = 	snop  }
__scs_overlays_trampoline_lowered:
0x8: {  	[smem:$0x3FA9] =	sst s0  }
0x9: {  	[smem:$0x3FAA] =	sst s1  }
0xa: {  	[smem:$0x3FAB] =	sst s2  }
0xb: {  	[smem:$0x3FAC] =	sst s3  }
0xc: {  	[smem:$0x3FAD] =	sst s4  }
0xd: {  	[smem:$0x3FAE] =	sst s5  }
0xe: {  	[smem:$0x3FAF] =	sst s6  }
0xf: {  	[smem:$0x3FB0] =	sst s7  }
0x10: {  	[smem:$0x3FB1] =	sst s8  }
0x11: {  	[smem:$0x3FB2] =	sst s9;
	s0 =	simm.s32 @!p0 $0x0  }
0x12: {  	s1 =	sld [smem:$0x3F98];
	s0 =	simm.s32 @p0 $0x1  }
0x13: {  	[smem:$0x3FB3] =	sst s0;
	s0 =	simm.s32 @!p1 $0x0  }
0x14: {  	s2 =	sld [smem:$0x3F97];
	s0 =	simm.s32 @p1 $0x1  }
0x15: {  	[smem:$0x3FB4] =	sst s0;
	s0 =	simm.s32 @!p2 $0x0  }
0x16: {  	s3 =	sld [smem:$0x3FDB];
	s0 =	simm.s32 @p2 $0x1  }
0x17: {  	s4 =	simm.s32 $0x1BF5;
	[smem:$0x3FB6] =	sst s0  }
0x18: {  	s0 =	sld [smem:$0x3F99];
	_ =	swait.ge [sflag:s4], $0x0  }
0x19: {  	s7 =	sld [smem:$0x3F9A]  }
0x1a: {  	s8 =	sadd.s32 $0xFFFFE003, lr  }
0x1b: {  	s9 =	sadd.s32 $0xFFFFFEF7, lr;
	s5 =	simm.s32 $0xFFFFFFFF;
	p2 =	slt.u32 s8, $0xFFFFF086  }
0x1c: {  	p1 =	slt.u32 s9, $0xF7A;
	s5 =	simm.s32 @!p2 $0x0  }
0x1d: {  	s5 =	simm.s32 @p1 $0x1;
	p0 =	seq.s32 s7, s2  }
0x1e: {  	s7 =	smul.u32 @!p0 $0xF7A, s2;
	p2 =	seq.s32 @!p0 s5, $0x0  }
0x1f: {  	s9 =	smul.u32 $0xF7A, s1;
	s8 =	simm.s32 @!p0 $0x1BF5;
	p2 =	por !p2, p0  }
0x20: {  	[sflag:s8] =	ssyncset.s32 @!p0 $0xFFFFF086;
	s6 =	sadd.s32 @!p0 s3, s7;
	s7 =	simm.s32 @!p0 $0x108  }
0x21: {  	s3 =	sadd.s32 s3, s9;
	s6 =	sadd.s32 @!p0 $0x88, s6;
	s7 =	simm.s32 @p2 $0x1082  }
0x22: {  	[simem:s7], [sflag:s8] =	dma.local @!p0 [hbm:s6], $0xF7A  }
0x23: {  	s9 =	sor.u32 $0xD0000000, s2;
	s6 =	simm.s32 $0x108;
	_ =	swait.ge @!p0 [sflag:s8], $0x0  }
0x24: {  	s3 =	sadd.s32 $0x88, s3;
	s6 =	simm.s32 @!p1 $0x1082;
	[sflag:s4] =	ssyncset.s32 $0xFFFFF086  }
0x25: {  	[simem:s6], [sflag:s4] =	dma.local [hbm:s3], $0xF7A  }
0x26: {  	[smem:$0x3F9A] =	sst s1;
	(tag) =	ssettag s2;
	_ =	strace s9  }
0x27: {  	s1 =	sld [smem:$0x3FAA]  }
0x28: {  	s2 =	sld [smem:$0x3FAB]  }
0x29: {  	s4 =	sld [smem:$0x3FAD]  }
0x2a: {  	p0 =	seq.s32 s5, $0x0;
	s5 =	sld [smem:$0x3FAE]  }
0x2b: {  	s6 =	sld [smem:$0x3FAF]  }
0x2c: {  	s7 =	sld [smem:$0x3FB0]  }
0x2d: {  	s3 =	simm.s32 $0x108;
	s8 =	sld [smem:$0x3FB1]  }
0x2e: {  	s3 =	simm.s32 @!p0 $0x1082;
	s9 =	sld [smem:$0x3FB2]  }
0x2f: {  	lr =	sadd.s32 s0, s3;
	s0 =	sld [smem:$0x3FA9]  }
0x30: {  	s3 =	sld [smem:$0x3FAC]  }
0x31: {  	[smem:$0x3FB5] =	sst s10  }
0x32: {  	s10 =	sld [smem:$0x3FB3];
	_ =	sdelay $0x3  }
0x33: {  	p0 =	seq.s32 s10, $0x1;
	s10 =	sld [smem:$0x3FB5];
	_ =	sdelay $0x3  }
0x34: {  	[smem:$0x3FB5] =	sst s10  }
0x35: {  	s10 =	sld [smem:$0x3FB4];
	_ =	sdelay $0x3  }
0x36: {  	p1 =	seq.s32 s10, $0x1;
	s10 =	sld [smem:$0x3FB5];
	_ =	sdelay $0x3  }
0x37: {  	[smem:$0x3FB5] =	sst s10  }
0x38: {  	s10 =	sld [smem:$0x3FB6]  }
0x39: {  	_ = 	snop;
	(pc) =	sbr.ind lr, $3  }
0x3a: {  	_ = 	snop  }
0x3b: {  	_ = 	snop  }
0x3c: {  	p2 =	seq.s32 s10, $0x1;
	s10 =	sld [smem:$0x3FB5]  }
0x3d: {  	_ =	shalt  }
0x3e: {  	_ =	shalt  }
0x3f: {  	_ =	shalt  }
0x40: {  	_ =	shalt  }
0x41: {  	_ =	shalt  }
0x42: {  	_ =	shalt  }
0x43: {  	_ =	shalt  }
0x44: {  	_ =	shalt  }
0x45: {  	_ =	shalt  }
0x46: {  	_ =	shalt  }
0x47: {  	_ =	shalt  }
0x48: {  	_ =	shalt  }
0x49: {  	_ =	shalt  }
0x4a: {  	_ =	shalt  }
0x4b: {  	_ =	shalt  }
0x4c: {  	_ =	shalt  }
0x4d: {  	_ =	shalt  }
0x4e: {  	_ =	shalt  }
0x4f: {  	_ =	shalt  }
0x50: {  	_ =	shalt  }
0x51: {  	_ =	shalt  }
0x52: {  	_ =	shalt  }
0x53: {  	_ =	shalt  }
0x54: {  	_ =	shalt  }
0x55: {  	_ =	shalt  }
0x56: {  	_ =	shalt  }
0x57: {  	_ =	shalt  }
0x58: {  	_ =	shalt  }
0x59: {  	_ =	shalt  }
0x5a: {  	_ =	shalt  }
0x5b: {  	_ =	shalt  }
0x5c: {  	_ =	shalt  }
0x5d: {  	_ =	shalt  }
0x5e: {  	_ =	shalt  }
0x5f: {  	_ =	shalt  }
0x60: {  	_ =	shalt  }
0x61: {  	_ =	shalt  }
0x62: {  	_ =	shalt  }
0x63: {  	_ =	shalt  }
0x64: {  	_ =	shalt  }
0x65: {  	_ =	shalt  }
0x66: {  	_ =	shalt  }
0x67: {  	_ =	shalt  }
0x68: {  	_ =	shalt  }
0x69: {  	_ =	shalt  }
0x6a: {  	_ =	shalt  }
0x6b: {  	_ =	shalt  }
0x6c: {  	_ =	shalt  }
0x6d: {  	_ =	shalt  }
0x6e: {  	_ =	shalt  }
0x6f: {  	_ =	shalt  }
0x70: {  	_ =	shalt  }
0x71: {  	_ =	shalt  }
0x72: {  	_ =	shalt  }
0x73: {  	_ =	shalt  }
0x74: {  	_ =	shalt  }
0x75: {  	_ =	shalt  }
0x76: {  	_ =	shalt  }
0x77: {  	_ =	shalt  }
0x78: {  	_ =	shalt  }
0x79: {  	_ =	shalt  }
0x7a: {  	_ =	shalt  }
0x7b: {  	_ =	shalt  }
0x7c: {  	_ =	shalt  }
0x7d: {  	_ =	shalt  }
0x7e: {  	_ =	shalt  }
0x7f: {  	_ =	shalt  }
0x80: {  	_ =	shalt  }
0x81: {  	_ =	shalt  }
0x82: {  	_ =	shalt  }
0x83: {  	_ =	shalt  }
0x84: {  	_ =	shalt  }
0x85: {  	_ =	shalt  }
0x86: {  	_ =	shalt  }
0x87: {  	_ =	shalt  }
.Lfunc_end0:
.L_simem_size_0:
called_computation.1_lowered:
.L_overlay_start_0:
0x88: {  	s2 =	sld [smem:$0x3FD9]  }
0x89: {  	s3 =	sld [smem:$0x3FFE];
	_ =	sdelay $0x1  }
0x8a: {  	s1 =	srdreg.scid  }
0x8b: {  	s0 =	sand.u32 $0x1, s1  }
0x8c: {  	s16 =	sshll.u32 s0, $0xA;
	s2 =	sadd.s32 s3, s2  }
0x8d: {  	s2 =	sadd.s32 s2, s16  }
0x8e: {  	[smem:$0x3FC1] =	sst s2  }
0x8f: {  	_ = 	snop  }
0x90: {  	(tm) =	ssettm $0x1  }
0x91: {  	s17 =	sld [smem:$0x3FFB];
	_ =	sdelay $0x3  }
0x92: {  	_ =	strace s17  }
0x93: {  	s2 =	sld [smem:$0x3FFC];
	_ =	sdelay $0x3  }
0x94: {  	_ =	strace s2  }
0x95: {  	s2 =	sld [smem:$0x3FFD];
	_ =	sdelay $0x3  }
0x96: {  	_ =	strace s2  }
0x97: {  	_ =	strace $0x8FFFFFFF  }
0x98: {  	s18 =	sld [smem:$0x3FDB];
	_ =	sdelay $0x1  }
0x99: {  	s19 =	simm.s32 $_scs_section_size  }
0x9a: {  	s4 =	simm.s32 $_size__tile_overlayer_lowered;
	s5 =	simm.s32 $_tile_overlayer_lowered  }
0x9b: {  	s22 =	simm.s32 $0x1BFF;
	s21 =	sshll.u32 s5, $0x1;
	s2 =	sadd.s32 s19, s18  }
0x9c: {  	s6 =	simm.s32 $0x0;
	s20 =	sshll.u32 s4, $0x1;
	s4 =	sadd.s32 s21, s2  }
0x9d: {  	[timem:s6], [sflag:s22] =	dma.local [hbm:s4], s20  }
0x9e: {  	_ =	swait.ge [sflag:s22], s20  }
0x9f: {  	s3 =	ssub.s32 $0x0, s20;
	[sflag:s22] =	ssyncset.done $0x0  }
0xa0: {  	[sflag:s22] =	ssyncadd.s32 s3;
	_ =	sdelay $0x1  }
0xa1: {  	s23 =	simm.s32 $0x1B8B  }
0xa2: {  	_ =	swait.ge [sflag:s23], $0x1  }
0xa3: {  	[sflag:s23] =	ssyncset.done $0x0  }
0xa4: {  	s25 =	simm.s32 $0x1B8E;
	s24 =	sld [smem:$0x3FFE];
	[sflag:s23] =	ssyncadd.s32 $0xFFFFFFFF  }
0xa5: {  	s26 =	simm.s32 $execute0_lowered;
	[smem:$0x3FD2] =	sst s25  }
0xa6: {  	s4 =	sshll.u32 s26, $0x1;
	_ =	strace $0x80000049;
	[dreg:$0x1] =	wrdreg $0xFFFFFFFF  }
0xa7: {  	s28 =	simm.s32 $_size_execute0_lowered;
	s2 =	sadd.s32 s2, s4;
	[dreg:$0x0] =	wrdreg $0x0  }
0xa8: {  	s4 =	sshll.u32 s28, $0x1;
	[dreg:$0x2] =	wrdreg s2  }
0xa9: {  	[dreg:$0x3] =	wrdreg s4  }
0xaa: {  	[dreg:$0x4] =	wrdreg $0xC0  }
0xab: {  	_ =	task [dreg:s6], $0x5FFFF  }
0xac: {  	[dreg:$0x1] =	wrdreg $0xFFFFFFFF  }
0xad: {  	[dreg:$0x0] =	wrdreg $0x60  }
0xae: {  	[dreg:$0x2] =	wrdreg s24  }
0xaf: {  	[dreg:$0x3] =	wrdreg $0xB8800  }
0xb0: {  	[dreg:$0x4] =	wrdreg $0x9  }
0xb1: {  	_ =	task.clear_ibuf [dreg:s6], $0x5FFFF;
	_ =	strace $0x90000049  }
0xb2: {  	s29 =	simm.s32 $0x9;
	_ =	strace $0x8000004B  }
0xb3: {  	_ =	swait.ge [sflag:s29], $0x1  }
0xb4: {  	[sflag:s29] =	ssyncadd.s32 $0xFFFFFFFF  }
0xb5: {  	_ =	strace $0x9000004B  }
0xb6: {  	_ =	sfence  }
0xb7: {  	s30 =	sld [smem:$0x0];
	_ =	sdelay $0x2  }
0xb8: {  	s31 =	sshll.u32 s1, $0xD;
	s1 =	sshrl.u32 s1, $0x2  }
0xb9: {  	s3 =	sand.u32 $0x4000, s31;
	s1 =	sadd.s32 s1, s30  }
0xba: {  	s0 =	sor.u32 s3, s0;
	s1 =	sshll.u32 s1, $0x11  }
0xbb: {  	s0 =	sor.u32 s1, s0  }
0xbc: {  	s0 =	sadd.s32 $0x8F2B, s0  }
0xbd: {  	[sflag:s0] =	ssyncadd.remote.s32 $0x1  }
0xbe: {  	_ =	sfence.sel $0xFFFF  }
0xbf: {  	[dreg:$0x0] =	wrdreg $0xFFFFFFFF;
	(pc) =	sbr.abs _section_cstart, $3  }
0xc0: {  	[dreg:$0x1] =	wrdreg $0xFFFFFFFF  }
0xc1: {  	_ =	task.clear_ibuf [dreg:s6], $0x2FFFF;
	_ =	strace $0x9FFFFFFF  }
0xc2: {  	(tm) =	ssettm $0x7FFFFFFF  }
0xc3: {  	_ =	shalt  }
tec
execute0_lowered:
.L_overlay_start_1:
0x0: {  	(tag) =	ssettag $0x1  }
0x1: {  	s0 =	rddreg [dreg:$0x0]  }
0x2: {  	s2 =	rddreg [dreg:$0x1];
	s7 =	stileid.u32  }
0x3: {  	s3 =	simm.s32 $0x0;
	s4 =	srdreg.scid;
	s1 =	smul.u32 $0x500, s7  }
0x4: {  	s28 =	simm.s32 $0x0;
	[smem:$0x7FF] =	sst s3;
	s12 =	smul.u32 $0x280, s7  }
0x5: {  	s13 =	sand.u32 $0x1, s4;
	s4 =	sadd.s32 $0x19E00, s0;
	s7 =	smul.u32 $0x50000, s7  }
0x6: {  	_ =	strace $0x8000004A;
	s5 =	ssub.s32 $0x2, s13;
	s19 =	smul.u32 $0x2800, s13  }
0x7: {  	s1 =	sadd.s32 s1, s0;
	s6 =	sshrl.u32 s5, $0x1;
	s0 =	sadd.s32 $0x68000, s0  }
0x8: {  	s14 =	sadd.s32 $0x80, s12;
	s22 =	sshrl.u32 s7, $0x2;
	s15 =	sadd.s32 $0x100, s12  }
0x9: {  	s16 =	sadd.s32 $0x180, s12;
	s17 =	sadd.s32 $0x200, s12;
	s18 =	ssub.s32 s5, s6  }
0xa: {  	s23 =	sshll.u32 s14, $0x7;
	s5 =	sadd.s32 s22, s2;
	s24 =	sshll.u32 s15, $0x7  }
0xb: {  	s8 =	sshll.u32 s16, $0x7;
	s9 =	sshll.u32 s17, $0x7;
	s10 =	sadd.s32 $0xAE00, s1  }
0xc: {  	s11 =	sadd.s32 $0x5E00, s1;
	s20 =	sadd.s32 s12, s19;
	s14 =	sadd.s32 s19, s14  }
0xd: {  	s12 =	sadd.s32 $0xE00, s1;
	s26 =	sadd.s32 s19, s15;
	s29 =	sadd.s32 s19, s16  }
0xe: {  	s30 =	sadd.s32 s19, s17;
	s22 =	simm.s32 $0x5000;
	s6 =	sadd.s32 s23, s2  }
0xf: {  	s7 =	sadd.s32 s24, s2;
	s8 =	sadd.s32 s8, s2;
	s9 =	sadd.s32 s9, s2  }
0x10: {  	s25 =	sshll.u32 s20, $0x4;
	s14 =	sshll.u32 s14, $0x4;
	s24 =	smul.u32 $0x2710, s13  }
0x11: {  	s1 =	sshll.u32 s26, $0x4;
	s31 =	sshll.u32 s29, $0x4;
	s19 =	sshll.u32 s30, $0x4  }
0x12: {  	s18 =	smax.u32 s18, $0x1;
	s20 =	simm.s32 $0x2;
	s23 =	simm.s32 $0x80  }
0x13: {  	s26 =	simm.s32 $0x0;
	s13 =	sadd.s32 s0, s25;
	s14 =	sadd.s32 s0, s14  }
0x14: {  	s15 =	sadd.s32 s0, s1;
	s16 =	sadd.s32 s0, s31;
	s17 =	sadd.s32 s0, s19  }
0x15: {  	v1 =	vimm.f32 $0.0e+00;
	s19 =	simm.s32 $0x7880;
	s25 =	simm.s32 $0x1;
	v0 =	vmov s24;
	s24 =	simm.s32 $0x7800  }
.LBB2_1:
0x16: {  	s0 =	simm.s32 $0x0;
	s1 =	simm.s32 $0x200  }
.LBB2_2:
0x17: {  	p0 =	sne.s32 s1, $0xFE00;
	[tilespmem:s0+$0x78F0] =	vst v1  }
0x18: {  	[tilespmem:s0+$0x7880] =	vst v1  }
0x19: {  	[tilespmem:s0+$0x7890] =	vst v1  }
.Ltmp0:
0x1a: {  	[tilespmem:s0+$0x78A0] =	vst v1;
	(pc) =	sbr.rel @p0 .LBB2_2-.Ltmp0, $4  }
0x1b: {  	[tilespmem:s0+$0x78B0] =	vst v1  }
0x1c: {  	[tilespmem:s0+$0x78C0] =	vst v1  }
0x1d: {  	[tilespmem:s0+$0x78D0] =	vst v1  }
0x1e: {  	[tilespmem:s0+$0x78E0] =	vst v1;
	s0 =	sshra.s32 s1, $0x2;
	s1 =	sadd.s32 $0x200, s1  }
0x1f: {  	[tilespmem:s0+$0x78F0] =	vst v1  }
0x20: {  	[tilespmem:s0+$0x7880] =	vst v1  }
0x21: {  	[tilespmem:s0+$0x7890] =	vst v1  }
0x22: {  	[tilespmem:s0+$0x78A0] =	vst v1  }
0x23: {  	[tilespmem:s0+$0x78B0] =	vst v1  }
0x24: {  	[tilespmem:s0+$0x78C0] =	vst v1  }
0x25: {  	[tilespmem:s0+$0x78D0] =	vst v1  }
0x26: {  	[tilespmem:s0+$0x78E0] =	vst v1  }
0x27: {  	[spmem:s5] =	stream.linear.scatter [tilespmem:s19], [sflag:$0x2], $0x4000, $0x38;
	[tilespmem:$0x1F880] =	vst v63  }
0x28: {  	_ =	swait.ge [sflag:s20], $0x4000  }
0x29: {  	[sflag:s20] =	ssyncset.done $0x0  }
0x2a: {  	[sflag:s20] =	ssyncadd.s32 $0xFFFFC000  }
0x2b: {  	[spmem:s6] =	stream.linear.scatter [tilespmem:s19], [sflag:$0x2], $0x4000, $0x38;
	[tilespmem:$0x1F880] =	vst v63  }
0x2c: {  	_ =	swait.ge [sflag:s20], $0x4000  }
0x2d: {  	[sflag:s20] =	ssyncset.done $0x0  }
0x2e: {  	[sflag:s20] =	ssyncadd.s32 $0xFFFFC000  }
0x2f: {  	[spmem:s7] =	stream.linear.scatter [tilespmem:s19], [sflag:$0x2], $0x4000, $0x38;
	[tilespmem:$0x1F880] =	vst v63  }
0x30: {  	_ =	swait.ge [sflag:s20], $0x4000  }
0x31: {  	[sflag:s20] =	ssyncset.done $0x0  }
0x32: {  	[sflag:s20] =	ssyncadd.s32 $0xFFFFC000  }
0x33: {  	[spmem:s8] =	stream.linear.scatter [tilespmem:s19], [sflag:$0x2], $0x4000, $0x38;
	[tilespmem:$0x1F880] =	vst v63  }
0x34: {  	_ =	swait.ge [sflag:s20], $0x4000  }
0x35: {  	[sflag:s20] =	ssyncset.done $0x0  }
0x36: {  	[sflag:s20] =	ssyncadd.s32 $0xFFFFC000  }
0x37: {  	[spmem:s9] =	stream.linear.scatter [tilespmem:s19], [sflag:$0x2], $0x4000, $0x38;
	[tilespmem:$0x1F880] =	vst v63  }
0x38: {  	_ =	swait.ge [sflag:s20], $0x4000  }
0x39: {  	[sflag:s20] =	ssyncset.done $0x0  }
0x3a: {  	[sflag:s20] =	ssyncadd.s32 $0xFFFFC000  }
0x3b: {  	[bflag:$0x0] =	sbarrier.arrive $0xFFFF  }
0x3c: {  	[tilespmem:s28], [sflag:$0x2] =	stream.linear.gather [hbm4b:s10+s28], $0x2800, $0x38;
	[tilespmem:$0x1F880] =	vst v63  }
0x3d: {  	_ =	swait.ge [sflag:s20], $0x2800  }
0x3e: {  	[sflag:s20] =	ssyncset.done $0x0  }
0x3f: {  	s31 =	simm.s32 $0x2800;
	[sflag:s20] =	ssyncadd.s32 $0xFFFFD800  }
0x40: {  	[tilespmem:s31], [sflag:$0x2] =	stream.linear.gather [hbm4b:s11+s28], $0x2800, $0x38;
	[tilespmem:$0x1F880] =	vst v63  }
0x41: {  	_ =	swait.ge [sflag:s20], $0x2800  }
0x42: {  	[sflag:s20] =	ssyncset.done $0x0  }
0x43: {  	[sflag:s20] =	ssyncadd.s32 $0xFFFFD800  }
0x44: {  	[tilespmem:s22], [sflag:$0x2] =	stream.linear.gather [hbm4b:s12+s28], $0x2800, $0x38;
	[tilespmem:$0x1F880] =	vst v63  }
0x45: {  	_ =	swait.ge [sflag:s20], $0x2800  }
0x46: {  	[sflag:s20] =	ssyncset.done $0x0  }
0x47: {  	s29 =	simm.s32 $0x0;
	[sflag:s20] =	ssyncadd.s32 $0xFFFFD800  }
.LBB2_4:
0x48: {  	s30 =	sshll.u32 s29, $0x7  }
0x49: {  	v2 =	vld [tilespmem:s30+$0x0];
	_ =	sdelay $0x4  }
0x4a: {  	v2 =	vadd.s32 v0, v2  }
0x4b: {  	[tilespmem:$0x7800] =	vst v2  }
0x4c: {  	v2 =	vld [tilespmem:s30+$0x10];
	_ =	sdelay $0x4  }
0x4d: {  	v2 =	vadd.s32 v0, v2  }
0x4e: {  	[tilespmem:$0x7810] =	vst v2  }
0x4f: {  	v2 =	vld [tilespmem:s30+$0x20];
	_ =	sdelay $0x4  }
0x50: {  	v2 =	vadd.s32 v0, v2  }
0x51: {  	[tilespmem:$0x7820] =	vst v2  }
0x52: {  	v2 =	vld [tilespmem:s30+$0x30];
	_ =	sdelay $0x4  }
0x53: {  	v2 =	vadd.s32 v0, v2  }
0x54: {  	[tilespmem:$0x7830] =	vst v2  }
0x55: {  	v2 =	vld [tilespmem:s30+$0x40];
	_ =	sdelay $0x4  }
0x56: {  	v2 =	vadd.s32 v0, v2  }
0x57: {  	[tilespmem:$0x7840] =	vst v2  }
0x58: {  	v2 =	vld [tilespmem:s30+$0x50];
	_ =	sdelay $0x4  }
0x59: {  	v2 =	vadd.s32 v0, v2  }
0x5a: {  	[tilespmem:$0x7850] =	vst v2  }
0x5b: {  	v2 =	vld [tilespmem:s30+$0x60];
	_ =	sdelay $0x4  }
0x5c: {  	v2 =	vadd.s32 v0, v2  }
0x5d: {  	[tilespmem:$0x7860] =	vst v2  }
0x5e: {  	v2 =	vld [tilespmem:s30+$0x70];
	_ =	sdelay $0x4  }
0x5f: {  	v3 =	vmov s28;
	v2 =	vadd.s32 v0, v2  }
0x60: {  	v3 =	vand.u32 $0x7E, v3;
	[tilespmem:$0x7870] =	vst v2;
	v2 =	vmov s30  }
0x61: {  	v3 =	vor.u32 v2, v3  }
0x62: {  	v5 =	vbroadcast v3, $0x0  }
0x63: {  	[tilespmem:s19], [sflag:$0x1] =	stream.indirect.gather [hbm4b:s4+s23], $0x80, s24, s23, $0xb8;
	[tilespmem:$0x1F880] =	vst v63  }
0x64: {  	_ =	swait.ge [sflag:s25], $0x4000  }
0x65: {  	[sflag:s25] =	ssyncset.done $0x0  }
0x66: {  	s31 =	simm.s32 $0x7900;
	[sflag:s25] =	ssyncadd.s32 $0xFFFFC000  }
0x67: {  	v7 =	vld [tilespmem:s31+$0xFFFFFFF0]  }
0x68: {  	v5 =	vld.idx.msk [tilespmem:v5+s22+$0x0], $0xffff  }
0x69: {  	v8 =	vld [tilespmem:s31+$0xFFFFFF80]  }
0x6a: {  	v9 =	vld [tilespmem:s31+$0xFFFFFFA0]  }
0x6b: {  	v10 =	vld [tilespmem:s31+$0xFFFFFFB0]  }
0x6c: {  	v6 =	vld [tilespmem:s31+$0xFFFFFFD0]  }
0x6d: {  	s0 =	simm.s32 $0x1;
	v11 =	vld [tilespmem:s31+$0xFFFFFFE0];
	v7 =	vmul.f32 v7, v5  }
0x6e: {  	v14 =	vmov s0;
	v12 =	vld [tilespmem:s31+$0xFFFFFF90];
	v8 =	vmul.f32 v8, v5  }
0x6f: {  	v13 =	vld [tilespmem:s31+$0xFFFFFFC0];
	v9 =	vmul.f32 v9, v5;
	[tilespmem:s31+$0xFFFFFFF0] =	vst v7;
	v7 =	vand.u32 $0x7F, v14  }
0x70: {  	v10 =	vmul.f32 v10, v5;
	[tilespmem:s31+$0xFFFFFF80] =	vst v8;
	v7 =	vor.u32 v2, v7  }
0x71: {  	v6 =	vmul.f32 v6, v5;
	[tilespmem:s31+$0xFFFFFFA0] =	vst v9;
	v8 =	vbroadcast v7, $0x0  }
0x72: {  	v63 =	vmul.f32 v11, v5;
	[tilespmem:s31+$0xFFFFFFB0] =	vst v10  }
0x73: {  	v3 =	vld [tilespmem:s31+$0x0];
	[tilespmem:s31+$0xFFFFFFD0] =	vst v6;
	v7 =	vmul.f32 v12, v5  }
0x74: {  	v4 =	vld [tilespmem:s31+$0x10];
	[tilespmem:s31+$0xFFFFFFE0] =	vst v63;
	v5 =	vmul.f32 v13, v5  }
0x75: {  	v6 =	vld [tilespmem:s31+$0x50];
	[tilespmem:s31+$0xFFFFFF90] =	vst v7  }
0x76: {  	v7 =	vld [tilespmem:s31+$0x20];
	[tilespmem:s31+$0xFFFFFFC0] =	vst v5  }
0x77: {  	s1 =	simm.s32 $0x7900;
	s0 =	simm.s32 $0x2;
	v5 =	vld.idx.msk [tilespmem:v8+s22+$0x0], $0xffff  }
.LBB2_5:
0x78: {  	p0 =	slt.u32 s0, $0x7E  }
0x79: {  	v8 =	vld [tilespmem:s31+$0x70];
	s1 =	sadd.s32 $0x100, s1;
	s21 =	smov.u32 s0;
	s0 =	sadd.s32 $0x2, s0  }
0x7a: {  	v9 =	vld [tilespmem:s31+$0x30]  }
0x7b: {  	v10 =	vld [tilespmem:s31+$0x40]  }
0x7c: {  	v11 =	vld [tilespmem:s31+$0x60];
	_ =	sdelay $0x1  }
0x7d: {  	v3 =	vmul.f32 v3, v5;
	v4 =	vmul.f32 v4, v5  }
0x7e: {  	v12 =	vmov s21;
	v7 =	vmul.f32 v7, v5;
	v9 =	vmul.f32 v9, v5  }
0x7f: {  	v12 =	vand.u32 $0x7E, v12;
	v6 =	vmul.f32 v6, v5;
	[tilespmem:s31+$0x0] =	vst v3;
	v10 =	vmul.f32 v10, v5  }
0x80: {  	v12 =	vor.u32 v2, v12;
	v3 =	vld [tilespmem:s1+$0x0];
	[tilespmem:s31+$0x20] =	vst v7;
	v7 =	vmul.f32 v11, v5;
	v5 =	vmul.f32 v8, v5  }
0x81: {  	v8 =	vbroadcast v12, $0x0;
	[tilespmem:s31+$0x10] =	vst v4  }
0x82: {  	v4 =	vld [tilespmem:s1+$0x10];
	[tilespmem:s31+$0x50] =	vst v6  }
0x83: {  	v6 =	vld [tilespmem:s1+$0xFFFFFFD0];
	[tilespmem:s31+$0x70] =	vst v5  }
0x84: {  	v5 =	vld [tilespmem:s1+$0xFFFFFFB0];
	[tilespmem:s31+$0x30] =	vst v9  }
0x85: {  	v9 =	vld [tilespmem:s1+$0xFFFFFFE0];
	[tilespmem:s31+$0x60] =	vst v7  }
0x86: {  	v7 =	vld [tilespmem:s1+$0xFFFFFFF0];
	[tilespmem:s31+$0x40] =	vst v10;
	s31 =	smov.u32 s1  }
0x87: {  	v8 =	vld.idx.msk [tilespmem:v8+s22+$0x0], $0xffff  }
0x88: {  	v10 =	vld [tilespmem:s1+$0xFFFFFF80]  }
0x89: {  	v11 =	vld [tilespmem:s1+$0xFFFFFFA0]  }
0x8a: {  	v12 =	vld [tilespmem:s1+$0xFFFFFF90]  }
0x8b: {  	v13 =	vld [tilespmem:s1+$0xFFFFFFC0];
	_ =	sdelay $0x1  }
0x8c: {  	s21 =	sadd.s32 $0x1, s21;
	v7 =	vmul.f32 v7, v8;
	v10 =	vmul.f32 v10, v8  }
0x8d: {  	v14 =	vmov s21;
	v9 =	vmul.f32 v9, v8;
	v11 =	vmul.f32 v11, v8  }
0x8e: {  	v5 =	vmul.f32 v5, v8;
	v12 =	vmul.f32 v12, v8;
	[tilespmem:s1+$0xFFFFFFF0] =	vst v7;
	v7 =	vand.u32 $0x7F, v14  }
0x8f: {  	v6 =	vmul.f32 v6, v8;
	[tilespmem:s1+$0xFFFFFF80] =	vst v10;
	v10 =	vmul.f32 v13, v8;
	v7 =	vor.u32 v2, v7  }
0x90: {  	[tilespmem:s1+$0xFFFFFFA0] =	vst v11;
	v8 =	vbroadcast v7, $0x0  }
0x91: {  	[tilespmem:s1+$0xFFFFFFB0] =	vst v5  }
.Ltmp1:
0x92: {  	[tilespmem:s1+$0xFFFFFFD0] =	vst v6;
	(pc) =	sbr.rel @p0 .LBB2_5-.Ltmp1, $4  }
0x93: {  	[tilespmem:s1+$0xFFFFFF90] =	vst v12  }
0x94: {  	[tilespmem:s1+$0xFFFFFFE0] =	vst v9;
	v7 =	vld [tilespmem:s1+$0x20]  }
0x95: {  	[tilespmem:s1+$0xFFFFFFC0] =	vst v10;
	v6 =	vld [tilespmem:s1+$0x50]  }
0x96: {  	v5 =	vld.idx.msk [tilespmem:v8+s22+$0x0], $0xffff  }
0x97: {  	_ =	sdelay $0x1  }
0x98: {  	v2 =	vld [tilespmem:s31+$0x70]  }
0x99: {  	v8 =	vld [tilespmem:s31+$0x30]  }
0x9a: {  	v3 =	vmul.f32 v3, v5  }
0x9b: {  	v10 =	vld [tilespmem:s31+$0x40];
	v7 =	vmul.f32 v7, v5  }
0x9c: {  	v9 =	vld [tilespmem:s31+$0x60];
	v4 =	vmul.f32 v4, v5;
	[tilespmem:s31+$0x0] =	vst v3  }
0x9d: {  	v2 =	vmul.f32 v2, v5;
	[tilespmem:s31+$0x20] =	vst v7  }
0x9e: {  	v63 =	vmul.f32 v8, v5;
	[tilespmem:s31+$0x10] =	vst v4  }
0x9f: {  	v3 =	vmul.f32 v6, v5;
	[tilespmem:s31+$0x70] =	vst v2  }
0xa0: {  	v2 =	vmul.f32 v10, v5;
	[tilespmem:s31+$0x30] =	vst v63  }
0xa1: {  	s29 =	sadd.s32 $0x1, s29;
	[tilespmem:s31+$0x50] =	vst v3;
	v3 =	vmul.f32 v9, v5  }
0xa2: {  	p0 =	sne.s32 s29, $0x50;
	[tilespmem:s31+$0x40] =	vst v2  }
.Ltmp2:
0xa3: {  	s0 =	sadd.s32 $0x2800, s30;
	[tilespmem:s31+$0x60] =	vst v3;
	(pc) =	sbr.rel @p0 .LBB2_4-.Ltmp2, $4  }
0xa4: {  	[spmem:s2] =	stream.indirect.scatter.add.f32 [tilespmem:s19], [sflag:$0x2], $0x80, s0, s23, $0xb8;
	[tilespmem:$0x1F880] =	vst v63  }
0xa5: {  	_ =	swait.ge [sflag:s20], $0x4000  }
0xa6: {  	[sflag:s20] =	ssyncset.done $0x0  }
0xa7: {  	[sflag:s20] =	ssyncadd.s32 $0xFFFFC000  }
0xa8: {  	[bflag:$0x0] =	sbarrier.arrive $0xFFFF  }
0xa9: {  	[tilespmem:s19], [sflag:$0x2] =	stream.linear.gather [spmem:s5], $0x4000, $0x38;
	[tilespmem:$0x1F880] =	vst v63  }
0xaa: {  	_ =	swait.ge [sflag:s20], $0x4000  }
0xab: {  	[sflag:s20] =	ssyncset.done $0x0  }
0xac: {  	[sflag:s20] =	ssyncadd.s32 $0xFFFFC000  }
0xad: {  	[hbm4b:s13+s3] =	stream.linear.scatter [tilespmem:s19], [sflag:$0x2], $0x4000, $0x38;
	[tilespmem:$0x1F880] =	vst v63  }
0xae: {  	_ =	swait.ge [sflag:s20], $0x4000  }
0xaf: {  	[sflag:s20] =	ssyncset.done $0x0  }
0xb0: {  	[sflag:s20] =	ssyncadd.s32 $0xFFFFC000  }
0xb1: {  	[tilespmem:s19], [sflag:$0x2] =	stream.linear.gather [spmem:s6], $0x4000, $0x38;
	[tilespmem:$0x1F880] =	vst v63  }
0xb2: {  	_ =	swait.ge [sflag:s20], $0x4000  }
0xb3: {  	[sflag:s20] =	ssyncset.done $0x0  }
0xb4: {  	[sflag:s20] =	ssyncadd.s32 $0xFFFFC000  }
0xb5: {  	[hbm4b:s14+s3] =	stream.linear.scatter [tilespmem:s19], [sflag:$0x2], $0x4000, $0x38;
	[tilespmem:$0x1F880] =	vst v63  }
0xb6: {  	_ =	swait.ge [sflag:s20], $0x4000  }
0xb7: {  	[sflag:s20] =	ssyncset.done $0x0  }
0xb8: {  	[sflag:s20] =	ssyncadd.s32 $0xFFFFC000  }
0xb9: {  	[tilespmem:s19], [sflag:$0x2] =	stream.linear.gather [spmem:s7], $0x4000, $0x38;
	[tilespmem:$0x1F880] =	vst v63  }
0xba: {  	_ =	swait.ge [sflag:s20], $0x4000  }
0xbb: {  	[sflag:s20] =	ssyncset.done $0x0  }
0xbc: {  	[sflag:s20] =	ssyncadd.s32 $0xFFFFC000  }
0xbd: {  	[hbm4b:s15+s3] =	stream.linear.scatter [tilespmem:s19], [sflag:$0x2], $0x4000, $0x38;
	[tilespmem:$0x1F880] =	vst v63  }
0xbe: {  	_ =	swait.ge [sflag:s20], $0x4000  }
0xbf: {  	[sflag:s20] =	ssyncset.done $0x0  }
0xc0: {  	[sflag:s20] =	ssyncadd.s32 $0xFFFFC000  }
0xc1: {  	[tilespmem:s19], [sflag:$0x2] =	stream.linear.gather [spmem:s8], $0x4000, $0x38;
	[tilespmem:$0x1F880] =	vst v63  }
0xc2: {  	_ =	swait.ge [sflag:s20], $0x4000  }
0xc3: {  	[sflag:s20] =	ssyncset.done $0x0  }
0xc4: {  	[sflag:s20] =	ssyncadd.s32 $0xFFFFC000  }
0xc5: {  	[hbm4b:s16+s3] =	stream.linear.scatter [tilespmem:s19], [sflag:$0x2], $0x4000, $0x38;
	[tilespmem:$0x1F880] =	vst v63  }
0xc6: {  	_ =	swait.ge [sflag:s20], $0x4000  }
0xc7: {  	[sflag:s20] =	ssyncset.done $0x0  }
0xc8: {  	[sflag:s20] =	ssyncadd.s32 $0xFFFFC000  }
0xc9: {  	[tilespmem:s19], [sflag:$0x2] =	stream.linear.gather [spmem:s9], $0x4000, $0x38;
	[tilespmem:$0x1F880] =	vst v63  }
0xca: {  	s26 =	sadd.s32 $0x1, s26;
	_ =	swait.ge [sflag:s20], $0x4000  }
0xcb: {  	p0 =	sne.s32 s26, s18;
	[sflag:s20] =	ssyncset.done $0x0  }
.Ltmp3:
0xcc: {  	[sflag:s20] =	ssyncadd.s32 $0xFFFFC000;
	(pc) =	sbr.rel @p0 .LBB2_1-.Ltmp3, $4  }
0xcd: {  	[hbm4b:s17+s3] =	stream.linear.scatter [tilespmem:s19], [sflag:$0x2], $0x4000, $0x38;
	[tilespmem:$0x1F880] =	vst v63  }
0xce: {  	_ =	swait.ge [sflag:s20], $0x4000  }
0xcf: {  	[sflag:s20] =	ssyncset.done $0x0  }
0xd0: {  	[sflag:s20] =	ssyncadd.s32 $0xFFFFC000  }
0xd1: {  	_ =	sfence.sel $0x180000  }
0xd2: {  	[bflag:$0x0] =	sbarrier.arrive $0xFFFF  }
0xd3: {  	_ =	strace $0x9000004A  }
0xd4: {  	s0 =	stileid.u32;
	[bflag:$0x2] =	sbarrier.arrive $0xFFFF  }
0xd5: {  	p0 =	sne.s32 s0, $0x0;
	s0 =	rddreg [dreg:$0x2]  }
0xd6: {  	s0 =	sadd.s32 @!p0 $0x100000, s0  }
0xd7: {  	[sflag:s0] =	ssyncadd.tile.s32 @!p0 $0x1;
	_ =	shalt  }
.Lfunc_end2:
_tile_overlayer_lowered:
.L_overlay_start_2:
0xd8: {  	(tag) =	ssettag $0x2  }
0xd9: {  	s0 =	rddreg [dreg:$0x0];
	s2 =	stileid.u32  }
0xda: {  	s1 =	rddreg [dreg:$0x1];
	p0 =	sne.s32 s2, $0x0  }
0xdb: {  	s3 =	rddreg [dreg:$0x2];
	[bflag:$0x3] =	sbarrier.arrive $0xFFFF;
	s2 =	simm.s32 @!p0 $0x1C02  }
0xdc: {  	[timem:s3], [sflag:s2] =	dma.local @!p0 [hbm:s0], s1  }
0xdd: {  	s0 =	simm.s32 @!p0 $0x2  }
0xde: {  	_ =	swait.ge @!p0 [sflag:s0], s1  }
0xdf: {  	s1 =	ssub.s32 @!p0 $0x0, s1;
	[sflag:s0] =	ssyncset.done @!p0 $0x0  }
0xe0: {  	[sflag:s0] =	ssyncadd.s32 @!p0 s1  }
0xe1: {  	[bflag:$0x3] =	sbarrier.arrive $0xFFFF  }
0xe2: {  	_ =	shalt  }

</sc_bundles>
